<compile_context>
chip_gen: v7x
topology: tpu7x:2x2x1
jax: 0.10.2.dev20260603
libtpu: 0.0.44.dev20260713+nightly
codegen_flags: <defaults>
</compile_context>

<pallas_src>
import jax
import jax.numpy as jnp
from jax import lax
from jax.experimental import pallas as pl
from jax.experimental.pallas import tpu as pltpu
from jax.experimental.pallas import tpu_sc as plsc

_N = 16 * 48 * 48
_C = 768
_K = 384
_NC = 2
_NS = 16
_NW = _NC * _NS
_ROWS_PER_W = _N // _NW
_R = 48
_CHUNKS = _ROWS_PER_W // _R
_PAIRS = _CHUNKS // 2
_L = 16
_JCH = _K // _L


def _body(in_hbm, idx_hbm, out_hbm, idx_v, in0, in1, out0, out1,
          si0, si1, so0, so1):
    wid = lax.axis_index("s") * _NC + lax.axis_index("c")
    cbase = wid * _CHUNKS
    pltpu.sync_copy(idx_hbm, idx_v)
    idx_chunks = [idx_v[pl.ds(_L * j, _L)] for j in range(_JCH)]

    def in_slice(c):
        return in_hbm.at[pl.ds((cbase + c) * _R, _R), :]

    def out_slice(c):
        return out_hbm.at[pl.ds((cbase + c) * _R, _R), :]

    def gather(in_v, out_v):
        @plsc.parallel_loop(0, _R, step=1, unroll=2)
        def row_body(r):
            rvec = jnp.full((_L,), r, jnp.int32)
            for j in range(_JCH):
                g = plsc.load_gather(in_v, [rvec, idx_chunks[j]])
                out_v[r, pl.ds(_L * j, _L)] = g

    pltpu.async_copy(in_slice(0), in0, si0)

    def pair_body(g, carry):
        bufs = ((in0, si0, out0, so0, in1, si1),
                (in1, si1, out1, so1, in0, si0))
        for par in range(2):
            in_v, si, out_v, so, nin_v, nsi = bufs[par]
            c = 2 * g + par

            @pl.when(c + 1 < _CHUNKS)
            def _():
                pltpu.async_copy(in_slice(c + 1), nin_v, nsi)

            pltpu.make_async_copy(in_slice(c), in_v, si).wait()

            @pl.when(g > 0)
            def _():
                pltpu.make_async_copy(out_v, out_slice(c), so).wait()

            gather(in_v, out_v)
            pltpu.async_copy(out_v, out_slice(c), so)
        return carry

    lax.fori_loop(0, _PAIRS, pair_body, 0)
    pltpu.make_async_copy(out0, out_slice(0), so0).wait()
    pltpu.make_async_copy(out1, out_slice(1), so1).wait()


@jax.jit
def _gather(x2d, idx):
    mesh = plsc.VectorSubcoreMesh(core_axis_name="c", subcore_axis_name="s")
    f = pl.kernel(
        _body,
        mesh=mesh,
        compiler_params=pltpu.CompilerParams(
            needs_layout_passes=False,
            use_tc_tiling_on_sc=True,
        ),
        out_type=jax.ShapeDtypeStruct((_N, _K), jnp.float32),
        scratch_types=[
            pltpu.VMEM((_K,), jnp.int32),
            pltpu.VMEM((_R, _C), jnp.float32),
            pltpu.VMEM((_R, _C), jnp.float32),
            pltpu.VMEM((_R, _K), jnp.float32),
            pltpu.VMEM((_R, _K), jnp.float32),
            pltpu.SemaphoreType.DMA,
            pltpu.SemaphoreType.DMA,
            pltpu.SemaphoreType.DMA,
            pltpu.SemaphoreType.DMA,
        ],
    )
    return f(x2d, idx)


def kernel(inputs, random_indices):
    out = _gather(inputs.reshape(_N, _C), random_indices)
    return out.reshape(16, 48, 48, _K)

# --- scband reference (transcript-rebuilt; emitter-appended) ---
"""Pipeline reference for scband-sampling-feature-maps-90228672954701 (READ-ONLY COPY).

The authoritative reference and input builder live on the scoring server;
editing this copy changes nothing except your own understanding.
"""

import jax, jax.numpy as jnp
import numpy as np


def setup_inputs(seed: int = 0) -> dict:
    key = jax.random.key(seed)
    inputs = jax.random.normal(key, (16, 48, 48, 768), dtype=jnp.float32)
    # Mirror the layer's build(): np.random.seed(seed); permutation(C)[:random_dim_size]
    np.random.seed(0)
    random_indices = jnp.asarray(np.random.permutation(768)[:384], dtype=jnp.int32)
    return {"inputs": inputs, "random_indices": random_indices}


def reference(inputs, random_indices):
    # tf.gather(inputs, random_indices, axis=-1)
    sampling_features = jnp.take(inputs, random_indices, axis=-1)
    return sampling_features

if __name__ == "__main__":
    import jax
    _d = setup_inputs()
    print(jax.jit(kernel)(*tuple(_d.values())))

</pallas_src>

<mosaic_0001>
#map = affine_map<(d0, d1) -> (0, 0)>
#map1 = affine_map<(d0, d1) -> (0)>
module attributes {stable_mosaic.version = 14 : i64} {
  func.func @_body(%arg0: i32, %arg1: i32, %arg2: memref<36864x768xf32, #tpu.memory_space<hbm>>, %arg3: memref<384xi32, #tpu.memory_space<hbm>>, %arg4: memref<36864x384xf32, #tpu.memory_space<hbm>>, %arg5: memref<384xi32, #tpu.memory_space<vmem>>, %arg6: memref<48x768xf32, #tpu.memory_space<vmem>>, %arg7: memref<48x768xf32, #tpu.memory_space<vmem>>, %arg8: memref<48x384xf32, #tpu.memory_space<vmem>>, %arg9: memref<48x384xf32, #tpu.memory_space<vmem>>, %arg10: memref<!tpu.dma_semaphore, #tpu.memory_space<semaphore_mem>>, %arg11: memref<!tpu.dma_semaphore, #tpu.memory_space<semaphore_mem>>, %arg12: memref<!tpu.dma_semaphore, #tpu.memory_space<semaphore_mem>>, %arg13: memref<!tpu.dma_semaphore, #tpu.memory_space<semaphore_mem>>) attributes {dimension_semantics = [#tpu.dimension_semantics<core_parallel>, #tpu.dimension_semantics<subcore_parallel>], iteration_bounds = array<i64: 2, 16>, scalar_prefetch = 0 : i64, scratch_operands = 9 : i64, tpu.core_type = #tpu.core_type<sc_vector_subcore>, window_params = [{transform_indices = #map}, {transform_indices = #map1}, {transform_indices = #map}]} {
    %mul3A = arith.constant 2 : i32
    %mul3A_0 = arith.muli %arg1, %mul3A : i32
    %add3A = arith.addi %mul3A_0, %arg0 : i32
    %mul3A_1 = arith.constant 24 : i32
    %mul3A_2 = arith.muli %add3A, %mul3A_1 : i32
    "tpu.region"() ({
      %run_scoped3A = tpu.sem_alloc : memref<!tpu.dma_semaphore, #tpu.memory_space<semaphore_mem>>
      tpu.enqueue_dma source(%arg3 : memref<384xi32, #tpu.memory_space<hbm>>) target(%arg5 : memref<384xi32, #tpu.memory_space<vmem>>) target_semaphore(%run_scoped3A : memref<!tpu.dma_semaphore, #tpu.memory_space<semaphore_mem>>)
      tpu.wait_dma2 semaphore(%run_scoped3A : memref<!tpu.dma_semaphore, #tpu.memory_space<semaphore_mem>>) src(%arg3 : memref<384xi32, #tpu.memory_space<hbm>>) dst(%arg5 : memref<384xi32, #tpu.memory_space<vmem>>)
      tpu.yield
    }) : () -> ()
    %get3A = arith.constant 0 : index
    %get3A_3 = tpu.vector_load %arg5[%get3A] {strides = array<i32>} : memref<384xi32, #tpu.memory_space<vmem>>, vector<16xi32>,
    %get3A_4 = arith.constant 16 : index
    %get3A_5 = tpu.vector_load %arg5[%get3A_4] {strides = array<i32>} : memref<384xi32, #tpu.memory_space<vmem>>, vector<16xi32>,
    %get3A_6 = arith.constant 32 : index
    %get3A_7 = tpu.vector_load %arg5[%get3A_6] {strides = array<i32>} : memref<384xi32, #tpu.memory_space<vmem>>, vector<16xi32>,
    %get3A_8 = arith.constant 48 : index
    %get3A_9 = tpu.vector_load %arg5[%get3A_8] {strides = array<i32>} : memref<384xi32, #tpu.memory_space<vmem>>, vector<16xi32>,
    %get3A_10 = arith.constant 64 : index
    %get3A_11 = tpu.vector_load %arg5[%get3A_10] {strides = array<i32>} : memref<384xi32, #tpu.memory_space<vmem>>, vector<16xi32>,
    %get3A_12 = arith.constant 80 : index
    %get3A_13 = tpu.vector_load %arg5[%get3A_12] {strides = array<i32>} : memref<384xi32, #tpu.memory_space<vmem>>, vector<16xi32>,
    %get3A_14 = arith.constant 96 : index
    %get3A_15 = tpu.vector_load %arg5[%get3A_14] {strides = array<i32>} : memref<384xi32, #tpu.memory_space<vmem>>, vector<16xi32>,
    %get3A_16 = arith.constant 112 : index
    %get3A_17 = tpu.vector_load %arg5[%get3A_16] {strides = array<i32>} : memref<384xi32, #tpu.memory_space<vmem>>, vector<16xi32>,
    %get3A_18 = arith.constant 128 : index
    %get3A_19 = tpu.vector_load %arg5[%get3A_18] {strides = array<i32>} : memref<384xi32, #tpu.memory_space<vmem>>, vector<16xi32>,
    %get3A_20 = arith.constant 144 : index
    %get3A_21 = tpu.vector_load %arg5[%get3A_20] {strides = array<i32>} : memref<384xi32, #tpu.memory_space<vmem>>, vector<16xi32>,
    %get3A_22 = arith.constant 160 : index
    %get3A_23 = tpu.vector_load %arg5[%get3A_22] {strides = array<i32>} : memref<384xi32, #tpu.memory_space<vmem>>, vector<16xi32>,
    %get3A_24 = arith.constant 176 : index
    %get3A_25 = tpu.vector_load %arg5[%get3A_24] {strides = array<i32>} : memref<384xi32, #tpu.memory_space<vmem>>, vector<16xi32>,
    %get3A_26 = arith.constant 192 : index
    %get3A_27 = tpu.vector_load %arg5[%get3A_26] {strides = array<i32>} : memref<384xi32, #tpu.memory_space<vmem>>, vector<16xi32>,
    %get3A_28 = arith.constant 208 : index
    %get3A_29 = tpu.vector_load %arg5[%get3A_28] {strides = array<i32>} : memref<384xi32, #tpu.memory_space<vmem>>, vector<16xi32>,
    %get3A_30 = arith.constant 224 : index
    %get3A_31 = tpu.vector_load %arg5[%get3A_30] {strides = array<i32>} : memref<384xi32, #tpu.memory_space<vmem>>, vector<16xi32>,
    %get3A_32 = arith.constant 240 : index
    %get3A_33 = tpu.vector_load %arg5[%get3A_32] {strides = array<i32>} : memref<384xi32, #tpu.memory_space<vmem>>, vector<16xi32>,
    %get3A_34 = arith.constant 256 : index
    %get3A_35 = tpu.vector_load %arg5[%get3A_34] {strides = array<i32>} : memref<384xi32, #tpu.memory_space<vmem>>, vector<16xi32>,
    %get3A_36 = arith.constant 272 : index
    %get3A_37 = tpu.vector_load %arg5[%get3A_36] {strides = array<i32>} : memref<384xi32, #tpu.memory_space<vmem>>, vector<16xi32>,
    %get3A_38 = arith.constant 288 : index
    %get3A_39 = tpu.vector_load %arg5[%get3A_38] {strides = array<i32>} : memref<384xi32, #tpu.memory_space<vmem>>, vector<16xi32>,
    %get3A_40 = arith.constant 304 : index
    %get3A_41 = tpu.vector_load %arg5[%get3A_40] {strides = array<i32>} : memref<384xi32, #tpu.memory_space<vmem>>, vector<16xi32>,
    %get3A_42 = arith.constant 320 : index
    %get3A_43 = tpu.vector_load %arg5[%get3A_42] {strides = array<i32>} : memref<384xi32, #tpu.memory_space<vmem>>, vector<16xi32>,
    %get3A_44 = arith.constant 336 : index
    %get3A_45 = tpu.vector_load %arg5[%get3A_44] {strides = array<i32>} : memref<384xi32, #tpu.memory_space<vmem>>, vector<16xi32>,
    %get3A_46 = arith.constant 352 : index
    %get3A_47 = tpu.vector_load %arg5[%get3A_46] {strides = array<i32>} : memref<384xi32, #tpu.memory_space<vmem>>, vector<16xi32>,
    %get3A_48 = arith.constant 368 : index
    %get3A_49 = tpu.vector_load %arg5[%get3A_48] {strides = array<i32>} : memref<384xi32, #tpu.memory_space<vmem>>, vector<16xi32>,
    %add3A_50 = arith.constant 0 : i32
    %add3A_51 = arith.addi %mul3A_2, %add3A_50 : i32
    %mul3A_52 = arith.constant 48 : i32
    %mul3A_53 = arith.muli %add3A_51, %mul3A_52 : i32
    %dma_start3A = arith.constant 0 : i32
    %dma_start3A_54 = tpu.memref_slice %arg2[%mul3A_53, %dma_start3A] : memref<36864x768xf32, #tpu.memory_space<hbm>> -> memref<48x768xf32, #tpu.memory_space<hbm>>
    %dma_start3A_55 = arith.constant 0 : i32
    %dma_start3A_56 = tpu.memref_slice %arg2[%mul3A_53, %dma_start3A_55] : memref<36864x768xf32, #tpu.memory_space<hbm>> -> memref<48x768xf32, #tpu.memory_space<hbm>>
    tpu.enqueue_dma source(%dma_start3A_56 : memref<48x768xf32, #tpu.memory_space<hbm>>) target(%arg6 : memref<48x768xf32, #tpu.memory_space<vmem>>) target_semaphore(%arg10 : memref<!tpu.dma_semaphore, #tpu.memory_space<semaphore_mem>>)
    %scan3A = arith.constant 0 : i32
    %scan3A_57 = arith.constant 0 : i32
    %scan3A_58 = arith.constant 12 : i32
    %scan3A_59 = arith.addi %scan3A_57, %scan3A_58 : i32
    %scan3A_60 = arith.constant 1 : i32
    scf.for %scan3A_77 = %scan3A_57 to %scan3A_59 step %scan3A_60  : i32 {
      %mul3A_78 = arith.constant 2 : i32
      %mul3A_79 = arith.muli %mul3A_78, %scan3A_77 : i32
      %add3A_80 = arith.constant 0 : i32
      %add3A_81 = arith.addi %mul3A_79, %add3A_80 : i32
      %add3A_82 = arith.constant 1 : i32
      %add3A_83 = arith.addi %add3A_81, %add3A_82 : i32
      %lt3A = arith.constant 24 : i32
      %lt3A_84 = arith.cmpi slt, %add3A_83, %lt3A : i32
      %convert_element_type3A = arith.extui %lt3A_84 : i1 to i32
      %cond3A = arith.constant 0 : i32
      %cond3A_85 = arith.cmpi ne, %convert_element_type3A, %cond3A : i32
      scf.if %cond3A_85 {
        %add3A_139 = arith.constant 1 : i32
        %add3A_140 = arith.addi %add3A_81, %add3A_139 : i32
        %add3A_141 = arith.addi %mul3A_2, %add3A_140 : i32
        %mul3A_142 = arith.constant 48 : i32
        %mul3A_143 = arith.muli %add3A_141, %mul3A_142 : i32
        %dma_start3A_144 = arith.constant 0 : i32
        %dma_start3A_145 = tpu.memref_slice %arg2[%mul3A_143, %dma_start3A_144] : memref<36864x768xf32, #tpu.memory_space<hbm>> -> memref<48x768xf32, #tpu.memory_space<hbm>>
        %dma_start3A_146 = arith.constant 0 : i32
        %dma_start3A_147 = tpu.memref_slice %arg2[%mul3A_143, %dma_start3A_146] : memref<36864x768xf32, #tpu.memory_space<hbm>> -> memref<48x768xf32, #tpu.memory_space<hbm>>
        tpu.enqueue_dma source(%dma_start3A_147 : memref<48x768xf32, #tpu.memory_space<hbm>>) target(%arg7 : memref<48x768xf32, #tpu.memory_space<vmem>>) target_semaphore(%arg11 : memref<!tpu.dma_semaphore, #tpu.memory_space<semaphore_mem>>)
      } else {
      }
      %add3A_86 = arith.addi %mul3A_2, %add3A_81 : i32
      %mul3A_87 = arith.constant 48 : i32
      %mul3A_88 = arith.muli %add3A_86, %mul3A_87 : i32
      %dma_wait3A_89 = arith.constant 0 : i32
      %dma_wait3A_90 = tpu.memref_slice %arg2[%mul3A_88, %dma_wait3A_89] : memref<36864x768xf32, #tpu.memory_space<hbm>> -> memref<48x768xf32, #tpu.memory_space<hbm>>
      %dma_wait3A_91 = arith.constant 0 : i32
      %dma_wait3A_92 = tpu.memref_slice %arg2[%mul3A_88, %dma_wait3A_91] : memref<36864x768xf32, #tpu.memory_space<hbm>> -> memref<48x768xf32, #tpu.memory_space<hbm>>
      tpu.wait_dma2 semaphore(%arg10 : memref<!tpu.dma_semaphore, #tpu.memory_space<semaphore_mem>>) src(%dma_wait3A_92 : memref<48x768xf32, #tpu.memory_space<hbm>>) dst(%arg6 : memref<48x768xf32, #tpu.memory_space<vmem>>)
      %gt3A = arith.constant 0 : i32
      %gt3A_93 = arith.cmpi sgt, %scan3A_77, %gt3A : i32
      %convert_element_type3A_94 = arith.extui %gt3A_93 : i1 to i32
      %cond3A_95 = arith.constant 0 : i32
      %cond3A_96 = arith.cmpi ne, %convert_element_type3A_94, %cond3A_95 : i32
      scf.if %cond3A_96 {
        %add3A_139 = arith.addi %mul3A_2, %add3A_81 : i32
        %mul3A_140 = arith.constant 48 : i32
        %mul3A_141 = arith.muli %add3A_139, %mul3A_140 : i32
        %dma_wait3A_142 = arith.constant 0 : i32
        %dma_wait3A_143 = tpu.memref_slice %arg4[%mul3A_141, %dma_wait3A_142] : memref<36864x384xf32, #tpu.memory_space<hbm>> -> memref<48x384xf32, #tpu.memory_space<hbm>>
        %dma_wait3A_144 = arith.constant 0 : i32
        %dma_wait3A_145 = tpu.memref_slice %arg4[%mul3A_141, %dma_wait3A_144] : memref<36864x384xf32, #tpu.memory_space<hbm>> -> memref<48x384xf32, #tpu.memory_space<hbm>>
        tpu.wait_dma2 semaphore(%arg12 : memref<!tpu.dma_semaphore, #tpu.memory_space<semaphore_mem>>) src(%arg8 : memref<48x384xf32, #tpu.memory_space<vmem>>) dst(%dma_wait3A_145 : memref<48x384xf32, #tpu.memory_space<hbm>>)
      } else {
      }
      %parallel_loop3A = arith.constant 0 : i32
      %parallel_loop3A_97 = arith.constant 48 : i32
      %parallel_loop3A_98 = arith.constant 1 : i32
      scf.for %parallel_loop3A_139 = %parallel_loop3A to %parallel_loop3A_97 step %parallel_loop3A_98  : i32 {
        %parallel_loop3A_140 = vector.broadcast %parallel_loop3A_139 : i32 to vector<16xi32>
        %parallel_loop3A_141 = tpu.vector_load_idx %arg6[%parallel_loop3A_140, %get3A_3] : memref<48x768xf32, #tpu.memory_space<vmem>>[vector<16xi32>, vector<16xi32>], vector<16xf32>,
        %parallel_loop3A_142 = arith.index_cast %parallel_loop3A_139 : i32 to index
        %parallel_loop3A_143 = arith.constant 0 : index
        %parallel_loop3A_144 = tpu.vector_load %arg8[%parallel_loop3A_142, %parallel_loop3A_143] {strides = array<i32>} : memref<48x384xf32, #tpu.memory_space<vmem>>, vector<16xf32>,
        tpu.vector_store %arg8[%parallel_loop3A_142, %parallel_loop3A_143], %parallel_loop3A_141 {strides = array<i32>} : memref<48x384xf32, #tpu.memory_space<vmem>>, vector<16xf32>,
        %parallel_loop3A_145 = tpu.vector_load_idx %arg6[%parallel_loop3A_140, %get3A_5] : memref<48x768xf32, #tpu.memory_space<vmem>>[vector<16xi32>, vector<16xi32>], vector<16xf32>,
        %parallel_loop3A_146 = arith.index_cast %parallel_loop3A_139 : i32 to index
        %parallel_loop3A_147 = arith.constant 16 : index
        %parallel_loop3A_148 = tpu.vector_load %arg8[%parallel_loop3A_146, %parallel_loop3A_147] {strides = array<i32>} : memref<48x384xf32, #tpu.memory_space<vmem>>, vector<16xf32>,
        tpu.vector_store %arg8[%parallel_loop3A_146, %parallel_loop3A_147], %parallel_loop3A_145 {strides = array<i32>} : memref<48x384xf32, #tpu.memory_space<vmem>>, vector<16xf32>,
        %parallel_loop3A_149 = tpu.vector_load_idx %arg6[%parallel_loop3A_140, %get3A_7] : memref<48x768xf32, #tpu.memory_space<vmem>>[vector<16xi32>, vector<16xi32>], vector<16xf32>,
        %parallel_loop3A_150 = arith.index_cast %parallel_loop3A_139 : i32 to index
        %parallel_loop3A_151 = arith.constant 32 : index
        %parallel_loop3A_152 = tpu.vector_load %arg8[%parallel_loop3A_150, %parallel_loop3A_151] {strides = array<i32>} : memref<48x384xf32, #tpu.memory_space<vmem>>, vector<16xf32>,
        tpu.vector_store %arg8[%parallel_loop3A_150, %parallel_loop3A_151], %parallel_loop3A_149 {strides = array<i32>} : memref<48x384xf32, #tpu.memory_space<vmem>>, vector<16xf32>,
        %parallel_loop3A_153 = tpu.vector_load_idx %arg6[%parallel_loop3A_140, %get3A_9] : memref<48x768xf32, #tpu.memory_space<vmem>>[vector<16xi32>, vector<16xi32>], vector<16xf32>,
        %parallel_loop3A_154 = arith.index_cast %parallel_loop3A_139 : i32 to index
        %parallel_loop3A_155 = arith.constant 48 : index
        %parallel_loop3A_156 = tpu.vector_load %arg8[%parallel_loop3A_154, %parallel_loop3A_155] {strides = array<i32>} : memref<48x384xf32, #tpu.memory_space<vmem>>, vector<16xf32>,
        tpu.vector_store %arg8[%parallel_loop3A_154, %parallel_loop3A_155], %parallel_loop3A_153 {strides = array<i32>} : memref<48x384xf32, #tpu.memory_space<vmem>>, vector<16xf32>,
        %parallel_loop3A_157 = tpu.vector_load_idx %arg6[%parallel_loop3A_140, %get3A_11] : memref<48x768xf32, #tpu.memory_space<vmem>>[vector<16xi32>, vector<16xi32>], vector<16xf32>,
        %parallel_loop3A_158 = arith.index_cast %parallel_loop3A_139 : i32 to index
        %parallel_loop3A_159 = arith.constant 64 : index
        %parallel_loop3A_160 = tpu.vector_load %arg8[%parallel_loop3A_158, %parallel_loop3A_159] {strides = array<i32>} : memref<48x384xf32, #tpu.memory_space<vmem>>, vector<16xf32>,
        tpu.vector_store %arg8[%parallel_loop3A_158, %parallel_loop3A_159], %parallel_loop3A_157 {strides = array<i32>} : memref<48x384xf32, #tpu.memory_space<vmem>>, vector<16xf32>,
        %parallel_loop3A_161 = tpu.vector_load_idx %arg6[%parallel_loop3A_140, %get3A_13] : memref<48x768xf32, #tpu.memory_space<vmem>>[vector<16xi32>, vector<16xi32>], vector<16xf32>,
        %parallel_loop3A_162 = arith.index_cast %parallel_loop3A_139 : i32 to index
        %parallel_loop3A_163 = arith.constant 80 : index
        %parallel_loop3A_164 = tpu.vector_load %arg8[%parallel_loop3A_162, %parallel_loop3A_163] {strides = array<i32>} : memref<48x384xf32, #tpu.memory_space<vmem>>, vector<16xf32>,
        tpu.vector_store %arg8[%parallel_loop3A_162, %parallel_loop3A_163], %parallel_loop3A_161 {strides = array<i32>} : memref<48x384xf32, #tpu.memory_space<vmem>>, vector<16xf32>,
        %parallel_loop3A_165 = tpu.vector_load_idx %arg6[%parallel_loop3A_140, %get3A_15] : memref<48x768xf32, #tpu.memory_space<vmem>>[vector<16xi32>, vector<16xi32>], vector<16xf32>,
        %parallel_loop3A_166 = arith.index_cast %parallel_loop3A_139 : i32 to index
        %parallel_loop3A_167 = arith.constant 96 : index
        %parallel_loop3A_168 = tpu.vector_load %arg8[%parallel_loop3A_166, %parallel_loop3A_167] {strides = array<i32>} : memref<48x384xf32, #tpu.memory_space<vmem>>, vector<16xf32>,
        tpu.vector_store %arg8[%parallel_loop3A_166, %parallel_loop3A_167], %parallel_loop3A_165 {strides = array<i32>} : memref<48x384xf32, #tpu.memory_space<vmem>>, vector<16xf32>,
        %parallel_loop3A_169 = tpu.vector_load_idx %arg6[%parallel_loop3A_140, %get3A_17] : memref<48x768xf32, #tpu.memory_space<vmem>>[vector<16xi32>, vector<16xi32>], vector<16xf32>,
        %parallel_loop3A_170 = arith.index_cast %parallel_loop3A_139 : i32 to index
        %parallel_loop3A_171 = arith.constant 112 : index
        %parallel_loop3A_172 = tpu.vector_load %arg8[%parallel_loop3A_170, %parallel_loop3A_171] {strides = array<i32>} : memref<48x384xf32, #tpu.memory_space<vmem>>, vector<16xf32>,
        tpu.vector_store %arg8[%parallel_loop3A_170, %parallel_loop3A_171], %parallel_loop3A_169 {strides = array<i32>} : memref<48x384xf32, #tpu.memory_space<vmem>>, vector<16xf32>,
        %parallel_loop3A_173 = tpu.vector_load_idx %arg6[%parallel_loop3A_140, %get3A_19] : memref<48x768xf32, #tpu.memory_space<vmem>>[vector<16xi32>, vector<16xi32>], vector<16xf32>,
        %parallel_loop3A_174 = arith.index_cast %parallel_loop3A_139 : i32 to index
        %parallel_loop3A_175 = arith.constant 128 : index
        %parallel_loop3A_176 = tpu.vector_load %arg8[%parallel_loop3A_174, %parallel_loop3A_175] {strides = array<i32>} : memref<48x384xf32, #tpu.memory_space<vmem>>, vector<16xf32>,
        tpu.vector_store %arg8[%parallel_loop3A_174, %parallel_loop3A_175], %parallel_loop3A_173 {strides = array<i32>} : memref<48x384xf32, #tpu.memory_space<vmem>>, vector<16xf32>,
        %parallel_loop3A_177 = tpu.vector_load_idx %arg6[%parallel_loop3A_140, %get3A_21] : memref<48x768xf32, #tpu.memory_space<vmem>>[vector<16xi32>, vector<16xi32>], vector<16xf32>,
        %parallel_loop3A_178 = arith.index_cast %parallel_loop3A_139 : i32 to index
        %parallel_loop3A_179 = arith.constant 144 : index
        %parallel_loop3A_180 = tpu.vector_load %arg8[%parallel_loop3A_178, %parallel_loop3A_179] {strides = array<i32>} : memref<48x384xf32, #tpu.memory_space<vmem>>, vector<16xf32>,
        tpu.vector_store %arg8[%parallel_loop3A_178, %parallel_loop3A_179], %parallel_loop3A_177 {strides = array<i32>} : memref<48x384xf32, #tpu.memory_space<vmem>>, vector<16xf32>,
        %parallel_loop3A_181 = tpu.vector_load_idx %arg6[%parallel_loop3A_140, %get3A_23] : memref<48x768xf32, #tpu.memory_space<vmem>>[vector<16xi32>, vector<16xi32>], vector<16xf32>,
        %parallel_loop3A_182 = arith.index_cast %parallel_loop3A_139 : i32 to index
        %parallel_loop3A_183 = arith.constant 160 : index
        %parallel_loop3A_184 = tpu.vector_load %arg8[%parallel_loop3A_182, %parallel_loop3A_183] {strides = array<i32>} : memref<48x384xf32, #tpu.memory_space<vmem>>, vector<16xf32>,
        tpu.vector_store %arg8[%parallel_loop3A_182, %parallel_loop3A_183], %parallel_loop3A_181 {strides = array<i32>} : memref<48x384xf32, #tpu.memory_space<vmem>>, vector<16xf32>,
        %parallel_loop3A_185 = tpu.vector_load_idx %arg6[%parallel_loop3A_140, %get3A_25] : memref<48x768xf32, #tpu.memory_space<vmem>>[vector<16xi32>, vector<16xi32>], vector<16xf32>,
        %parallel_loop3A_186 = arith.index_cast %parallel_loop3A_139 : i32 to index
        %parallel_loop3A_187 = arith.constant 176 : index
        %parallel_loop3A_188 = tpu.vector_load %arg8[%parallel_loop3A_186, %parallel_loop3A_187] {strides = array<i32>} : memref<48x384xf32, #tpu.memory_space<vmem>>, vector<16xf32>,
        tpu.vector_store %arg8[%parallel_loop3A_186, %parallel_loop3A_187], %parallel_loop3A_185 {strides = array<i32>} : memref<48x384xf32, #tpu.memory_space<vmem>>, vector<16xf32>,
        %parallel_loop3A_189 = tpu.vector_load_idx %arg6[%parallel_loop3A_140, %get3A_27] : memref<48x768xf32, #tpu.memory_space<vmem>>[vector<16xi32>, vector<16xi32>], vector<16xf32>,
        %parallel_loop3A_190 = arith.index_cast %parallel_loop3A_139 : i32 to index
        %parallel_loop3A_191 = arith.constant 192 : index
        %parallel_loop3A_192 = tpu.vector_load %arg8[%parallel_loop3A_190, %parallel_loop3A_191] {strides = array<i32>} : memref<48x384xf32, #tpu.memory_space<vmem>>, vector<16xf32>,
        tpu.vector_store %arg8[%parallel_loop3A_190, %parallel_loop3A_191], %parallel_loop3A_189 {strides = array<i32>} : memref<48x384xf32, #tpu.memory_space<vmem>>, vector<16xf32>,
        %parallel_loop3A_193 = tpu.vector_load_idx %arg6[%parallel_loop3A_140, %get3A_29] : memref<48x768xf32, #tpu.memory_space<vmem>>[vector<16xi32>, vector<16xi32>], vector<16xf32>,
        %parallel_loop3A_194 = arith.index_cast %parallel_loop3A_139 : i32 to index
        %parallel_loop3A_195 = arith.constant 208 : index
        %parallel_loop3A_196 = tpu.vector_load %arg8[%parallel_loop3A_194, %parallel_loop3A_195] {strides = array<i32>} : memref<48x384xf32, #tpu.memory_space<vmem>>, vector<16xf32>,
        tpu.vector_store %arg8[%parallel_loop3A_194, %parallel_loop3A_195], %parallel_loop3A_193 {strides = array<i32>} : memref<48x384xf32, #tpu.memory_space<vmem>>, vector<16xf32>,
        %parallel_loop3A_197 = tpu.vector_load_idx %arg6[%parallel_loop3A_140, %get3A_31] : memref<48x768xf32, #tpu.memory_space<vmem>>[vector<16xi32>, vector<16xi32>], vector<16xf32>,
        %parallel_loop3A_198 = arith.index_cast %parallel_loop3A_139 : i32 to index
        %parallel_loop3A_199 = arith.constant 224 : index
        %parallel_loop3A_200 = tpu.vector_load %arg8[%parallel_loop3A_198, %parallel_loop3A_199] {strides = array<i32>} : memref<48x384xf32, #tpu.memory_space<vmem>>, vector<16xf32>,
        tpu.vector_store %arg8[%parallel_loop3A_198, %parallel_loop3A_199], %parallel_loop3A_197 {strides = array<i32>} : memref<48x384xf32, #tpu.memory_space<vmem>>, vector<16xf32>,
        %parallel_loop3A_201 = tpu.vector_load_idx %arg6[%parallel_loop3A_140, %get3A_33] : memref<48x768xf32, #tpu.memory_space<vmem>>[vector<16xi32>, vector<16xi32>], vector<16xf32>,
        %parallel_loop3A_202 = arith.index_cast %parallel_loop3A_139 : i32 to index
        %parallel_loop3A_203 = arith.constant 240 : index
        %parallel_loop3A_204 = tpu.vector_load %arg8[%parallel_loop3A_202, %parallel_loop3A_203] {strides = array<i32>} : memref<48x384xf32, #tpu.memory_space<vmem>>, vector<16xf32>,
        tpu.vector_store %arg8[%parallel_loop3A_202, %parallel_loop3A_203], %parallel_loop3A_201 {strides = array<i32>} : memref<48x384xf32, #tpu.memory_space<vmem>>, vector<16xf32>,
        %parallel_loop3A_205 = tpu.vector_load_idx %arg6[%parallel_loop3A_140, %get3A_35] : memref<48x768xf32, #tpu.memory_space<vmem>>[vector<16xi32>, vector<16xi32>], vector<16xf32>,
        %parallel_loop3A_206 = arith.index_cast %parallel_loop3A_139 : i32 to index
        %parallel_loop3A_207 = arith.constant 256 : index
        %parallel_loop3A_208 = tpu.vector_load %arg8[%parallel_loop3A_206, %parallel_loop3A_207] {strides = array<i32>} : memref<48x384xf32, #tpu.memory_space<vmem>>, vector<16xf32>,
        tpu.vector_store %arg8[%parallel_loop3A_206, %parallel_loop3A_207], %parallel_loop3A_205 {strides = array<i32>} : memref<48x384xf32, #tpu.memory_space<vmem>>, vector<16xf32>,
        %parallel_loop3A_209 = tpu.vector_load_idx %arg6[%parallel_loop3A_140, %get3A_37] : memref<48x768xf32, #tpu.memory_space<vmem>>[vector<16xi32>, vector<16xi32>], vector<16xf32>,
        %parallel_loop3A_210 = arith.index_cast %parallel_loop3A_139 : i32 to index
        %parallel_loop3A_211 = arith.constant 272 : index
        %parallel_loop3A_212 = tpu.vector_load %arg8[%parallel_loop3A_210, %parallel_loop3A_211] {strides = array<i32>} : memref<48x384xf32, #tpu.memory_space<vmem>>, vector<16xf32>,
        tpu.vector_store %arg8[%parallel_loop3A_210, %parallel_loop3A_211], %parallel_loop3A_209 {strides = array<i32>} : memref<48x384xf32, #tpu.memory_space<vmem>>, vector<16xf32>,
        %parallel_loop3A_213 = tpu.vector_load_idx %arg6[%parallel_loop3A_140, %get3A_39] : memref<48x768xf32, #tpu.memory_space<vmem>>[vector<16xi32>, vector<16xi32>], vector<16xf32>,
        %parallel_loop3A_214 = arith.index_cast %parallel_loop3A_139 : i32 to index
        %parallel_loop3A_215 = arith.constant 288 : index
        %parallel_loop3A_216 = tpu.vector_load %arg8[%parallel_loop3A_214, %parallel_loop3A_215] {strides = array<i32>} : memref<48x384xf32, #tpu.memory_space<vmem>>, vector<16xf32>,
        tpu.vector_store %arg8[%parallel_loop3A_214, %parallel_loop3A_215], %parallel_loop3A_213 {strides = array<i32>} : memref<48x384xf32, #tpu.memory_space<vmem>>, vector<16xf32>,
        %parallel_loop3A_217 = tpu.vector_load_idx %arg6[%parallel_loop3A_140, %get3A_41] : memref<48x768xf32, #tpu.memory_space<vmem>>[vector<16xi32>, vector<16xi32>], vector<16xf32>,
        %parallel_loop3A_218 = arith.index_cast %parallel_loop3A_139 : i32 to index
        %parallel_loop3A_219 = arith.constant 304 : index
        %parallel_loop3A_220 = tpu.vector_load %arg8[%parallel_loop3A_218, %parallel_loop3A_219] {strides = array<i32>} : memref<48x384xf32, #tpu.memory_space<vmem>>, vector<16xf32>,
        tpu.vector_store %arg8[%parallel_loop3A_218, %parallel_loop3A_219], %parallel_loop3A_217 {strides = array<i32>} : memref<48x384xf32, #tpu.memory_space<vmem>>, vector<16xf32>,
        %parallel_loop3A_221 = tpu.vector_load_idx %arg6[%parallel_loop3A_140, %get3A_43] : memref<48x768xf32, #tpu.memory_space<vmem>>[vector<16xi32>, vector<16xi32>], vector<16xf32>,
        %parallel_loop3A_222 = arith.index_cast %parallel_loop3A_139 : i32 to index
        %parallel_loop3A_223 = arith.constant 320 : index
        %parallel_loop3A_224 = tpu.vector_load %arg8[%parallel_loop3A_222, %parallel_loop3A_223] {strides = array<i32>} : memref<48x384xf32, #tpu.memory_space<vmem>>, vector<16xf32>,
        tpu.vector_store %arg8[%parallel_loop3A_222, %parallel_loop3A_223], %parallel_loop3A_221 {strides = array<i32>} : memref<48x384xf32, #tpu.memory_space<vmem>>, vector<16xf32>,
        %parallel_loop3A_225 = tpu.vector_load_idx %arg6[%parallel_loop3A_140, %get3A_45] : memref<48x768xf32, #tpu.memory_space<vmem>>[vector<16xi32>, vector<16xi32>], vector<16xf32>,
        %parallel_loop3A_226 = arith.index_cast %parallel_loop3A_139 : i32 to index
        %parallel_loop3A_227 = arith.constant 336 : index
        %parallel_loop3A_228 = tpu.vector_load %arg8[%parallel_loop3A_226, %parallel_loop3A_227] {strides = array<i32>} : memref<48x384xf32, #tpu.memory_space<vmem>>, vector<16xf32>,
        tpu.vector_store %arg8[%parallel_loop3A_226, %parallel_loop3A_227], %parallel_loop3A_225 {strides = array<i32>} : memref<48x384xf32, #tpu.memory_space<vmem>>, vector<16xf32>,
        %parallel_loop3A_229 = tpu.vector_load_idx %arg6[%parallel_loop3A_140, %get3A_47] : memref<48x768xf32, #tpu.memory_space<vmem>>[vector<16xi32>, vector<16xi32>], vector<16xf32>,
        %parallel_loop3A_230 = arith.index_cast %parallel_loop3A_139 : i32 to index
        %parallel_loop3A_231 = arith.constant 352 : index
        %parallel_loop3A_232 = tpu.vector_load %arg8[%parallel_loop3A_230, %parallel_loop3A_231] {strides = array<i32>} : memref<48x384xf32, #tpu.memory_space<vmem>>, vector<16xf32>,
        tpu.vector_store %arg8[%parallel_loop3A_230, %parallel_loop3A_231], %parallel_loop3A_229 {strides = array<i32>} : memref<48x384xf32, #tpu.memory_space<vmem>>, vector<16xf32>,
        %parallel_loop3A_233 = tpu.vector_load_idx %arg6[%parallel_loop3A_140, %get3A_49] : memref<48x768xf32, #tpu.memory_space<vmem>>[vector<16xi32>, vector<16xi32>], vector<16xf32>,
        %parallel_loop3A_234 = arith.index_cast %parallel_loop3A_139 : i32 to index
        %parallel_loop3A_235 = arith.constant 368 : index
        %parallel_loop3A_236 = tpu.vector_load %arg8[%parallel_loop3A_234, %parallel_loop3A_235] {strides = array<i32>} : memref<48x384xf32, #tpu.memory_space<vmem>>, vector<16xf32>,
        tpu.vector_store %arg8[%parallel_loop3A_234, %parallel_loop3A_235], %parallel_loop3A_233 {strides = array<i32>} : memref<48x384xf32, #tpu.memory_space<vmem>>, vector<16xf32>,
      } {sc.loop_unroll_factor = 2 : i64, sc.parallel_access}
      %add3A_99 = arith.addi %mul3A_2, %add3A_81 : i32
      %mul3A_100 = arith.constant 48 : i32
      %mul3A_101 = arith.muli %add3A_99, %mul3A_100 : i32
      %dma_start3A_102 = arith.constant 0 : i32
      %dma_start3A_103 = tpu.memref_slice %arg4[%mul3A_101, %dma_start3A_102] : memref<36864x384xf32, #tpu.memory_space<hbm>> -> memref<48x384xf32, #tpu.memory_space<hbm>>
      %dma_start3A_104 = arith.constant 0 : i32
      %dma_start3A_105 = tpu.memref_slice %arg4[%mul3A_101, %dma_start3A_104] : memref<36864x384xf32, #tpu.memory_space<hbm>> -> memref<48x384xf32, #tpu.memory_space<hbm>>
      tpu.enqueue_dma source(%arg8 : memref<48x384xf32, #tpu.memory_space<vmem>>) target(%dma_start3A_105 : memref<48x384xf32, #tpu.memory_space<hbm>>) target_semaphore(%arg12 : memref<!tpu.dma_semaphore, #tpu.memory_space<semaphore_mem>>)
      %mul3A_106 = arith.constant 2 : i32
      %mul3A_107 = arith.muli %mul3A_106, %scan3A_77 : i32
      %add3A_108 = arith.constant 1 : i32
      %add3A_109 = arith.addi %mul3A_107, %add3A_108 : i32
      %add3A_110 = arith.constant 1 : i32
      %add3A_111 = arith.addi %add3A_109, %add3A_110 : i32
      %lt3A_112 = arith.constant 24 : i32
      %lt3A_113 = arith.cmpi slt, %add3A_111, %lt3A_112 : i32
      %convert_element_type3A_114 = arith.extui %lt3A_113 : i1 to i32
      %cond3A_115 = arith.constant 0 : i32
      %cond3A_116 = arith.cmpi ne, %convert_element_type3A_114, %cond3A_115 : i32
      scf.if %cond3A_116 {
        %add3A_139 = arith.constant 1 : i32
        %add3A_140 = arith.addi %add3A_109, %add3A_139 : i32
        %add3A_141 = arith.addi %mul3A_2, %add3A_140 : i32
        %mul3A_142 = arith.constant 48 : i32
        %mul3A_143 = arith.muli %add3A_141, %mul3A_142 : i32
        %dma_start3A_144 = arith.constant 0 : i32
        %dma_start3A_145 = tpu.memref_slice %arg2[%mul3A_143, %dma_start3A_144] : memref<36864x768xf32, #tpu.memory_space<hbm>> -> memref<48x768xf32, #tpu.memory_space<hbm>>
        %dma_start3A_146 = arith.constant 0 : i32
        %dma_start3A_147 = tpu.memref_slice %arg2[%mul3A_143, %dma_start3A_146] : memref<36864x768xf32, #tpu.memory_space<hbm>> -> memref<48x768xf32, #tpu.memory_space<hbm>>
        tpu.enqueue_dma source(%dma_start3A_147 : memref<48x768xf32, #tpu.memory_space<hbm>>) target(%arg6 : memref<48x768xf32, #tpu.memory_space<vmem>>) target_semaphore(%arg10 : memref<!tpu.dma_semaphore, #tpu.memory_space<semaphore_mem>>)
      } else {
      }
      %add3A_117 = arith.addi %mul3A_2, %add3A_109 : i32
      %mul3A_118 = arith.constant 48 : i32
      %mul3A_119 = arith.muli %add3A_117, %mul3A_118 : i32
      %dma_wait3A_120 = arith.constant 0 : i32
      %dma_wait3A_121 = tpu.memref_slice %arg2[%mul3A_119, %dma_wait3A_120] : memref<36864x768xf32, #tpu.memory_space<hbm>> -> memref<48x768xf32, #tpu.memory_space<hbm>>
      %dma_wait3A_122 = arith.constant 0 : i32
      %dma_wait3A_123 = tpu.memref_slice %arg2[%mul3A_119, %dma_wait3A_122] : memref<36864x768xf32, #tpu.memory_space<hbm>> -> memref<48x768xf32, #tpu.memory_space<hbm>>
      tpu.wait_dma2 semaphore(%arg11 : memref<!tpu.dma_semaphore, #tpu.memory_space<semaphore_mem>>) src(%dma_wait3A_123 : memref<48x768xf32, #tpu.memory_space<hbm>>) dst(%arg7 : memref<48x768xf32, #tpu.memory_space<vmem>>)
      %gt3A_124 = arith.constant 0 : i32
      %gt3A_125 = arith.cmpi sgt, %scan3A_77, %gt3A_124 : i32
      %convert_element_type3A_126 = arith.extui %gt3A_125 : i1 to i32
      %cond3A_127 = arith.constant 0 : i32
      %cond3A_128 = arith.cmpi ne, %convert_element_type3A_126, %cond3A_127 : i32
      scf.if %cond3A_128 {
        %add3A_139 = arith.addi %mul3A_2, %add3A_109 : i32
        %mul3A_140 = arith.constant 48 : i32
        %mul3A_141 = arith.muli %add3A_139, %mul3A_140 : i32
        %dma_wait3A_142 = arith.constant 0 : i32
        %dma_wait3A_143 = tpu.memref_slice %arg4[%mul3A_141, %dma_wait3A_142] : memref<36864x384xf32, #tpu.memory_space<hbm>> -> memref<48x384xf32, #tpu.memory_space<hbm>>
        %dma_wait3A_144 = arith.constant 0 : i32
        %dma_wait3A_145 = tpu.memref_slice %arg4[%mul3A_141, %dma_wait3A_144] : memref<36864x384xf32, #tpu.memory_space<hbm>> -> memref<48x384xf32, #tpu.memory_space<hbm>>
        tpu.wait_dma2 semaphore(%arg13 : memref<!tpu.dma_semaphore, #tpu.memory_space<semaphore_mem>>) src(%arg9 : memref<48x384xf32, #tpu.memory_space<vmem>>) dst(%dma_wait3A_145 : memref<48x384xf32, #tpu.memory_space<hbm>>)
      } else {
      }
      %parallel_loop3A_129 = arith.constant 0 : i32
      %parallel_loop3A_130 = arith.constant 48 : i32
      %parallel_loop3A_131 = arith.constant 1 : i32
      scf.for %parallel_loop3A_139 = %parallel_loop3A_129 to %parallel_loop3A_130 step %parallel_loop3A_131  : i32 {
        %parallel_loop3A_140 = vector.broadcast %parallel_loop3A_139 : i32 to vector<16xi32>
        %parallel_loop3A_141 = tpu.vector_load_idx %arg7[%parallel_loop3A_140, %get3A_3] : memref<48x768xf32, #tpu.memory_space<vmem>>[vector<16xi32>, vector<16xi32>], vector<16xf32>,
        %parallel_loop3A_142 = arith.index_cast %parallel_loop3A_139 : i32 to index
        %parallel_loop3A_143 = arith.constant 0 : index
        %parallel_loop3A_144 = tpu.vector_load %arg9[%parallel_loop3A_142, %parallel_loop3A_143] {strides = array<i32>} : memref<48x384xf32, #tpu.memory_space<vmem>>, vector<16xf32>,
        tpu.vector_store %arg9[%parallel_loop3A_142, %parallel_loop3A_143], %parallel_loop3A_141 {strides = array<i32>} : memref<48x384xf32, #tpu.memory_space<vmem>>, vector<16xf32>,
        %parallel_loop3A_145 = tpu.vector_load_idx %arg7[%parallel_loop3A_140, %get3A_5] : memref<48x768xf32, #tpu.memory_space<vmem>>[vector<16xi32>, vector<16xi32>], vector<16xf32>,
        %parallel_loop3A_146 = arith.index_cast %parallel_loop3A_139 : i32 to index
        %parallel_loop3A_147 = arith.constant 16 : index
        %parallel_loop3A_148 = tpu.vector_load %arg9[%parallel_loop3A_146, %parallel_loop3A_147] {strides = array<i32>} : memref<48x384xf32, #tpu.memory_space<vmem>>, vector<16xf32>,
        tpu.vector_store %arg9[%parallel_loop3A_146, %parallel_loop3A_147], %parallel_loop3A_145 {strides = array<i32>} : memref<48x384xf32, #tpu.memory_space<vmem>>, vector<16xf32>,
        %parallel_loop3A_149 = tpu.vector_load_idx %arg7[%parallel_loop3A_140, %get3A_7] : memref<48x768xf32, #tpu.memory_space<vmem>>[vector<16xi32>, vector<16xi32>], vector<16xf32>,
        %parallel_loop3A_150 = arith.index_cast %parallel_loop3A_139 : i32 to index
        %parallel_loop3A_151 = arith.constant 32 : index
        %parallel_loop3A_152 = tpu.vector_load %arg9[%parallel_loop3A_150, %parallel_loop3A_151] {strides = array<i32>} : memref<48x384xf32, #tpu.memory_space<vmem>>, vector<16xf32>,
        tpu.vector_store %arg9[%parallel_loop3A_150, %parallel_loop3A_151], %parallel_loop3A_149 {strides = array<i32>} : memref<48x384xf32, #tpu.memory_space<vmem>>, vector<16xf32>,
        %parallel_loop3A_153 = tpu.vector_load_idx %arg7[%parallel_loop3A_140, %get3A_9] : memref<48x768xf32, #tpu.memory_space<vmem>>[vector<16xi32>, vector<16xi32>], vector<16xf32>,
        %parallel_loop3A_154 = arith.index_cast %parallel_loop3A_139 : i32 to index
        %parallel_loop3A_155 = arith.constant 48 : index
        %parallel_loop3A_156 = tpu.vector_load %arg9[%parallel_loop3A_154, %parallel_loop3A_155] {strides = array<i32>} : memref<48x384xf32, #tpu.memory_space<vmem>>, vector<16xf32>,
        tpu.vector_store %arg9[%parallel_loop3A_154, %parallel_loop3A_155], %parallel_loop3A_153 {strides = array<i32>} : memref<48x384xf32, #tpu.memory_space<vmem>>, vector<16xf32>,
        %parallel_loop3A_157 = tpu.vector_load_idx %arg7[%parallel_loop3A_140, %get3A_11] : memref<48x768xf32, #tpu.memory_space<vmem>>[vector<16xi32>, vector<16xi32>], vector<16xf32>,
        %parallel_loop3A_158 = arith.index_cast %parallel_loop3A_139 : i32 to index
        %parallel_loop3A_159 = arith.constant 64 : index
        %parallel_loop3A_160 = tpu.vector_load %arg9[%parallel_loop3A_158, %parallel_loop3A_159] {strides = array<i32>} : memref<48x384xf32, #tpu.memory_space<vmem>>, vector<16xf32>,
        tpu.vector_store %arg9[%parallel_loop3A_158, %parallel_loop3A_159], %parallel_loop3A_157 {strides = array<i32>} : memref<48x384xf32, #tpu.memory_space<vmem>>, vector<16xf32>,
        %parallel_loop3A_161 = tpu.vector_load_idx %arg7[%parallel_loop3A_140, %get3A_13] : memref<48x768xf32, #tpu.memory_space<vmem>>[vector<16xi32>, vector<16xi32>], vector<16xf32>,
        %parallel_loop3A_162 = arith.index_cast %parallel_loop3A_139 : i32 to index
        %parallel_loop3A_163 = arith.constant 80 : index
        %parallel_loop3A_164 = tpu.vector_load %arg9[%parallel_loop3A_162, %parallel_loop3A_163] {strides = array<i32>} : memref<48x384xf32, #tpu.memory_space<vmem>>, vector<16xf32>,
        tpu.vector_store %arg9[%parallel_loop3A_162, %parallel_loop3A_163], %parallel_loop3A_161 {strides = array<i32>} : memref<48x384xf32, #tpu.memory_space<vmem>>, vector<16xf32>,
        %parallel_loop3A_165 = tpu.vector_load_idx %arg7[%parallel_loop3A_140, %get3A_15] : memref<48x768xf32, #tpu.memory_space<vmem>>[vector<16xi32>, vector<16xi32>], vector<16xf32>,
        %parallel_loop3A_166 = arith.index_cast %parallel_loop3A_139 : i32 to index
        %parallel_loop3A_167 = arith.constant 96 : index
        %parallel_loop3A_168 = tpu.vector_load %arg9[%parallel_loop3A_166, %parallel_loop3A_167] {strides = array<i32>} : memref<48x384xf32, #tpu.memory_space<vmem>>, vector<16xf32>,
        tpu.vector_store %arg9[%parallel_loop3A_166, %parallel_loop3A_167], %parallel_loop3A_165 {strides = array<i32>} : memref<48x384xf32, #tpu.memory_space<vmem>>, vector<16xf32>,
        %parallel_loop3A_169 = tpu.vector_load_idx %arg7[%parallel_loop3A_140, %get3A_17] : memref<48x768xf32, #tpu.memory_space<vmem>>[vector<16xi32>, vector<16xi32>], vector<16xf32>,
        %parallel_loop3A_170 = arith.index_cast %parallel_loop3A_139 : i32 to index
        %parallel_loop3A_171 = arith.constant 112 : index
        %parallel_loop3A_172 = tpu.vector_load %arg9[%parallel_loop3A_170, %parallel_loop3A_171] {strides = array<i32>} : memref<48x384xf32, #tpu.memory_space<vmem>>, vector<16xf32>,
        tpu.vector_store %arg9[%parallel_loop3A_170, %parallel_loop3A_171], %parallel_loop3A_169 {strides = array<i32>} : memref<48x384xf32, #tpu.memory_space<vmem>>, vector<16xf32>,
        %parallel_loop3A_173 = tpu.vector_load_idx %arg7[%parallel_loop3A_140, %get3A_19] : memref<48x768xf32, #tpu.memory_space<vmem>>[vector<16xi32>, vector<16xi32>], vector<16xf32>,
        %parallel_loop3A_174 = arith.index_cast %parallel_loop3A_139 : i32 to index
        %parallel_loop3A_175 = arith.constant 128 : index
        %parallel_loop3A_176 = tpu.vector_load %arg9[%parallel_loop3A_174, %parallel_loop3A_175] {strides = array<i32>} : memref<48x384xf32, #tpu.memory_space<vmem>>, vector<16xf32>,
        tpu.vector_store %arg9[%parallel_loop3A_174, %parallel_loop3A_175], %parallel_loop3A_173 {strides = array<i32>} : memref<48x384xf32, #tpu.memory_space<vmem>>, vector<16xf32>,
        %parallel_loop3A_177 = tpu.vector_load_idx %arg7[%parallel_loop3A_140, %get3A_21] : memref<48x768xf32, #tpu.memory_space<vmem>>[vector<16xi32>, vector<16xi32>], vector<16xf32>,
        %parallel_loop3A_178 = arith.index_cast %parallel_loop3A_139 : i32 to index
        %parallel_loop3A_179 = arith.constant 144 : index
        %parallel_loop3A_180 = tpu.vector_load %arg9[%parallel_loop3A_178, %parallel_loop3A_179] {strides = array<i32>} : memref<48x384xf32, #tpu.memory_space<vmem>>, vector<16xf32>,
        tpu.vector_store %arg9[%parallel_loop3A_178, %parallel_loop3A_179], %parallel_loop3A_177 {strides = array<i32>} : memref<48x384xf32, #tpu.memory_space<vmem>>, vector<16xf32>,
        %parallel_loop3A_181 = tpu.vector_load_idx %arg7[%parallel_loop3A_140, %get3A_23] : memref<48x768xf32, #tpu.memory_space<vmem>>[vector<16xi32>, vector<16xi32>], vector<16xf32>,
        %parallel_loop3A_182 = arith.index_cast %parallel_loop3A_139 : i32 to index
        %parallel_loop3A_183 = arith.constant 160 : index
        %parallel_loop3A_184 = tpu.vector_load %arg9[%parallel_loop3A_182, %parallel_loop3A_183] {strides = array<i32>} : memref<48x384xf32, #tpu.memory_space<vmem>>, vector<16xf32>,
        tpu.vector_store %arg9[%parallel_loop3A_182, %parallel_loop3A_183], %parallel_loop3A_181 {strides = array<i32>} : memref<48x384xf32, #tpu.memory_space<vmem>>, vector<16xf32>,
        %parallel_loop3A_185 = tpu.vector_load_idx %arg7[%parallel_loop3A_140, %get3A_25] : memref<48x768xf32, #tpu.memory_space<vmem>>[vector<16xi32>, vector<16xi32>], vector<16xf32>,
        %parallel_loop3A_186 = arith.index_cast %parallel_loop3A_139 : i32 to index
        %parallel_loop3A_187 = arith.constant 176 : index
        %parallel_loop3A_188 = tpu.vector_load %arg9[%parallel_loop3A_186, %parallel_loop3A_187] {strides = array<i32>} : memref<48x384xf32, #tpu.memory_space<vmem>>, vector<16xf32>,
        tpu.vector_store %arg9[%parallel_loop3A_186, %parallel_loop3A_187], %parallel_loop3A_185 {strides = array<i32>} : memref<48x384xf32, #tpu.memory_space<vmem>>, vector<16xf32>,
        %parallel_loop3A_189 = tpu.vector_load_idx %arg7[%parallel_loop3A_140, %get3A_27] : memref<48x768xf32, #tpu.memory_space<vmem>>[vector<16xi32>, vector<16xi32>], vector<16xf32>,
        %parallel_loop3A_190 = arith.index_cast %parallel_loop3A_139 : i32 to index
        %parallel_loop3A_191 = arith.constant 192 : index
        %parallel_loop3A_192 = tpu.vector_load %arg9[%parallel_loop3A_190, %parallel_loop3A_191] {strides = array<i32>} : memref<48x384xf32, #tpu.memory_space<vmem>>, vector<16xf32>,
        tpu.vector_store %arg9[%parallel_loop3A_190, %parallel_loop3A_191], %parallel_loop3A_189 {strides = array<i32>} : memref<48x384xf32, #tpu.memory_space<vmem>>, vector<16xf32>,
        %parallel_loop3A_193 = tpu.vector_load_idx %arg7[%parallel_loop3A_140, %get3A_29] : memref<48x768xf32, #tpu.memory_space<vmem>>[vector<16xi32>, vector<16xi32>], vector<16xf32>,
        %parallel_loop3A_194 = arith.index_cast %parallel_loop3A_139 : i32 to index
        %parallel_loop3A_195 = arith.constant 208 : index
        %parallel_loop3A_196 = tpu.vector_load %arg9[%parallel_loop3A_194, %parallel_loop3A_195] {strides = array<i32>} : memref<48x384xf32, #tpu.memory_space<vmem>>, vector<16xf32>,
        tpu.vector_store %arg9[%parallel_loop3A_194, %parallel_loop3A_195], %parallel_loop3A_193 {strides = array<i32>} : memref<48x384xf32, #tpu.memory_space<vmem>>, vector<16xf32>,
        %parallel_loop3A_197 = tpu.vector_load_idx %arg7[%parallel_loop3A_140, %get3A_31] : memref<48x768xf32, #tpu.memory_space<vmem>>[vector<16xi32>, vector<16xi32>], vector<16xf32>,
        %parallel_loop3A_198 = arith.index_cast %parallel_loop3A_139 : i32 to index
        %parallel_loop3A_199 = arith.constant 224 : index
        %parallel_loop3A_200 = tpu.vector_load %arg9[%parallel_loop3A_198, %parallel_loop3A_199] {strides = array<i32>} : memref<48x384xf32, #tpu.memory_space<vmem>>, vector<16xf32>,
        tpu.vector_store %arg9[%parallel_loop3A_198, %parallel_loop3A_199], %parallel_loop3A_197 {strides = array<i32>} : memref<48x384xf32, #tpu.memory_space<vmem>>, vector<16xf32>,
        %parallel_loop3A_201 = tpu.vector_load_idx %arg7[%parallel_loop3A_140, %get3A_33] : memref<48x768xf32, #tpu.memory_space<vmem>>[vector<16xi32>, vector<16xi32>], vector<16xf32>,
        %parallel_loop3A_202 = arith.index_cast %parallel_loop3A_139 : i32 to index
        %parallel_loop3A_203 = arith.constant 240 : index
        %parallel_loop3A_204 = tpu.vector_load %arg9[%parallel_loop3A_202, %parallel_loop3A_203] {strides = array<i32>} : memref<48x384xf32, #tpu.memory_space<vmem>>, vector<16xf32>,
        tpu.vector_store %arg9[%parallel_loop3A_202, %parallel_loop3A_203], %parallel_loop3A_201 {strides = array<i32>} : memref<48x384xf32, #tpu.memory_space<vmem>>, vector<16xf32>,
        %parallel_loop3A_205 = tpu.vector_load_idx %arg7[%parallel_loop3A_140, %get3A_35] : memref<48x768xf32, #tpu.memory_space<vmem>>[vector<16xi32>, vector<16xi32>], vector<16xf32>,
        %parallel_loop3A_206 = arith.index_cast %parallel_loop3A_139 : i32 to index
        %parallel_loop3A_207 = arith.constant 256 : index
        %parallel_loop3A_208 = tpu.vector_load %arg9[%parallel_loop3A_206, %parallel_loop3A_207] {strides = array<i32>} : memref<48x384xf32, #tpu.memory_space<vmem>>, vector<16xf32>,
        tpu.vector_store %arg9[%parallel_loop3A_206, %parallel_loop3A_207], %parallel_loop3A_205 {strides = array<i32>} : memref<48x384xf32, #tpu.memory_space<vmem>>, vector<16xf32>,
        %parallel_loop3A_209 = tpu.vector_load_idx %arg7[%parallel_loop3A_140, %get3A_37] : memref<48x768xf32, #tpu.memory_space<vmem>>[vector<16xi32>, vector<16xi32>], vector<16xf32>,
        %parallel_loop3A_210 = arith.index_cast %parallel_loop3A_139 : i32 to index
        %parallel_loop3A_211 = arith.constant 272 : index
        %parallel_loop3A_212 = tpu.vector_load %arg9[%parallel_loop3A_210, %parallel_loop3A_211] {strides = array<i32>} : memref<48x384xf32, #tpu.memory_space<vmem>>, vector<16xf32>,
        tpu.vector_store %arg9[%parallel_loop3A_210, %parallel_loop3A_211], %parallel_loop3A_209 {strides = array<i32>} : memref<48x384xf32, #tpu.memory_space<vmem>>, vector<16xf32>,
        %parallel_loop3A_213 = tpu.vector_load_idx %arg7[%parallel_loop3A_140, %get3A_39] : memref<48x768xf32, #tpu.memory_space<vmem>>[vector<16xi32>, vector<16xi32>], vector<16xf32>,
        %parallel_loop3A_214 = arith.index_cast %parallel_loop3A_139 : i32 to index
        %parallel_loop3A_215 = arith.constant 288 : index
        %parallel_loop3A_216 = tpu.vector_load %arg9[%parallel_loop3A_214, %parallel_loop3A_215] {strides = array<i32>} : memref<48x384xf32, #tpu.memory_space<vmem>>, vector<16xf32>,
        tpu.vector_store %arg9[%parallel_loop3A_214, %parallel_loop3A_215], %parallel_loop3A_213 {strides = array<i32>} : memref<48x384xf32, #tpu.memory_space<vmem>>, vector<16xf32>,
        %parallel_loop3A_217 = tpu.vector_load_idx %arg7[%parallel_loop3A_140, %get3A_41] : memref<48x768xf32, #tpu.memory_space<vmem>>[vector<16xi32>, vector<16xi32>], vector<16xf32>,
        %parallel_loop3A_218 = arith.index_cast %parallel_loop3A_139 : i32 to index
        %parallel_loop3A_219 = arith.constant 304 : index
        %parallel_loop3A_220 = tpu.vector_load %arg9[%parallel_loop3A_218, %parallel_loop3A_219] {strides = array<i32>} : memref<48x384xf32, #tpu.memory_space<vmem>>, vector<16xf32>,
        tpu.vector_store %arg9[%parallel_loop3A_218, %parallel_loop3A_219], %parallel_loop3A_217 {strides = array<i32>} : memref<48x384xf32, #tpu.memory_space<vmem>>, vector<16xf32>,
        %parallel_loop3A_221 = tpu.vector_load_idx %arg7[%parallel_loop3A_140, %get3A_43] : memref<48x768xf32, #tpu.memory_space<vmem>>[vector<16xi32>, vector<16xi32>], vector<16xf32>,
        %parallel_loop3A_222 = arith.index_cast %parallel_loop3A_139 : i32 to index
        %parallel_loop3A_223 = arith.constant 320 : index
        %parallel_loop3A_224 = tpu.vector_load %arg9[%parallel_loop3A_222, %parallel_loop3A_223] {strides = array<i32>} : memref<48x384xf32, #tpu.memory_space<vmem>>, vector<16xf32>,
        tpu.vector_store %arg9[%parallel_loop3A_222, %parallel_loop3A_223], %parallel_loop3A_221 {strides = array<i32>} : memref<48x384xf32, #tpu.memory_space<vmem>>, vector<16xf32>,
        %parallel_loop3A_225 = tpu.vector_load_idx %arg7[%parallel_loop3A_140, %get3A_45] : memref<48x768xf32, #tpu.memory_space<vmem>>[vector<16xi32>, vector<16xi32>], vector<16xf32>,
        %parallel_loop3A_226 = arith.index_cast %parallel_loop3A_139 : i32 to index
        %parallel_loop3A_227 = arith.constant 336 : index
        %parallel_loop3A_228 = tpu.vector_load %arg9[%parallel_loop3A_226, %parallel_loop3A_227] {strides = array<i32>} : memref<48x384xf32, #tpu.memory_space<vmem>>, vector<16xf32>,
        tpu.vector_store %arg9[%parallel_loop3A_226, %parallel_loop3A_227], %parallel_loop3A_225 {strides = array<i32>} : memref<48x384xf32, #tpu.memory_space<vmem>>, vector<16xf32>,
        %parallel_loop3A_229 = tpu.vector_load_idx %arg7[%parallel_loop3A_140, %get3A_47] : memref<48x768xf32, #tpu.memory_space<vmem>>[vector<16xi32>, vector<16xi32>], vector<16xf32>,
        %parallel_loop3A_230 = arith.index_cast %parallel_loop3A_139 : i32 to index
        %parallel_loop3A_231 = arith.constant 352 : index
        %parallel_loop3A_232 = tpu.vector_load %arg9[%parallel_loop3A_230, %parallel_loop3A_231] {strides = array<i32>} : memref<48x384xf32, #tpu.memory_space<vmem>>, vector<16xf32>,
        tpu.vector_store %arg9[%parallel_loop3A_230, %parallel_loop3A_231], %parallel_loop3A_229 {strides = array<i32>} : memref<48x384xf32, #tpu.memory_space<vmem>>, vector<16xf32>,
        %parallel_loop3A_233 = tpu.vector_load_idx %arg7[%parallel_loop3A_140, %get3A_49] : memref<48x768xf32, #tpu.memory_space<vmem>>[vector<16xi32>, vector<16xi32>], vector<16xf32>,
        %parallel_loop3A_234 = arith.index_cast %parallel_loop3A_139 : i32 to index
        %parallel_loop3A_235 = arith.constant 368 : index
        %parallel_loop3A_236 = tpu.vector_load %arg9[%parallel_loop3A_234, %parallel_loop3A_235] {strides = array<i32>} : memref<48x384xf32, #tpu.memory_space<vmem>>, vector<16xf32>,
        tpu.vector_store %arg9[%parallel_loop3A_234, %parallel_loop3A_235], %parallel_loop3A_233 {strides = array<i32>} : memref<48x384xf32, #tpu.memory_space<vmem>>, vector<16xf32>,
      } {sc.loop_unroll_factor = 2 : i64, sc.parallel_access}
      %add3A_132 = arith.addi %mul3A_2, %add3A_109 : i32
      %mul3A_133 = arith.constant 48 : i32
      %mul3A_134 = arith.muli %add3A_132, %mul3A_133 : i32
      %dma_start3A_135 = arith.constant 0 : i32
      %dma_start3A_136 = tpu.memref_slice %arg4[%mul3A_134, %dma_start3A_135] : memref<36864x384xf32, #tpu.memory_space<hbm>> -> memref<48x384xf32, #tpu.memory_space<hbm>>
      %dma_start3A_137 = arith.constant 0 : i32
      %dma_start3A_138 = tpu.memref_slice %arg4[%mul3A_134, %dma_start3A_137] : memref<36864x384xf32, #tpu.memory_space<hbm>> -> memref<48x384xf32, #tpu.memory_space<hbm>>
      tpu.enqueue_dma source(%arg9 : memref<48x384xf32, #tpu.memory_space<vmem>>) target(%dma_start3A_138 : memref<48x384xf32, #tpu.memory_space<hbm>>) target_semaphore(%arg13 : memref<!tpu.dma_semaphore, #tpu.memory_space<semaphore_mem>>)
    }
    %scan3A_61 = arith.constant 12 : i32
    %add3A_62 = arith.constant 0 : i32
    %add3A_63 = arith.addi %mul3A_2, %add3A_62 : i32
    %mul3A_64 = arith.constant 48 : i32
    %mul3A_65 = arith.muli %add3A_63, %mul3A_64 : i32
    %dma_wait3A = arith.constant 0 : i32
    %dma_wait3A_66 = tpu.memref_slice %arg4[%mul3A_65, %dma_wait3A] : memref<36864x384xf32, #tpu.memory_space<hbm>> -> memref<48x384xf32, #tpu.memory_space<hbm>>
    %dma_wait3A_67 = arith.constant 0 : i32
    %dma_wait3A_68 = tpu.memref_slice %arg4[%mul3A_65, %dma_wait3A_67] : memref<36864x384xf32, #tpu.memory_space<hbm>> -> memref<48x384xf32, #tpu.memory_space<hbm>>
    tpu.wait_dma2 semaphore(%arg12 : memref<!tpu.dma_semaphore, #tpu.memory_space<semaphore_mem>>) src(%arg8 : memref<48x384xf32, #tpu.memory_space<vmem>>) dst(%dma_wait3A_68 : memref<48x384xf32, #tpu.memory_space<hbm>>)
    %add3A_69 = arith.constant 1 : i32
    %add3A_70 = arith.addi %mul3A_2, %add3A_69 : i32
    %mul3A_71 = arith.constant 48 : i32
    %mul3A_72 = arith.muli %add3A_70, %mul3A_71 : i32
    %dma_wait3A_73 = arith.constant 0 : i32
    %dma_wait3A_74 = tpu.memref_slice %arg4[%mul3A_72, %dma_wait3A_73] : memref<36864x384xf32, #tpu.memory_space<hbm>> -> memref<48x384xf32, #tpu.memory_space<hbm>>
    %dma_wait3A_75 = arith.constant 0 : i32
    %dma_wait3A_76 = tpu.memref_slice %arg4[%mul3A_72, %dma_wait3A_75] : memref<36864x384xf32, #tpu.memory_space<hbm>> -> memref<48x384xf32, #tpu.memory_space<hbm>>
    tpu.wait_dma2 semaphore(%arg13 : memref<!tpu.dma_semaphore, #tpu.memory_space<semaphore_mem>>) src(%arg9 : memref<48x384xf32, #tpu.memory_space<vmem>>) dst(%dma_wait3A_76 : memref<48x384xf32, #tpu.memory_space<hbm>>)
    return
  }
}

</mosaic_0001>

<sc_bundles>
// kernel: _gather.3.cloned.1.call-start
scs
__scs_entry_jumppad:
0x0: {  	(pc) =	sbr.rel $0x88, $3  }
0x1: {  	(tag) =	ssettag $0x0;
	lr =	simm.s32 $0x1  }
0x2: {  	[smem:$0x3F9F] =	sst lr;
	_ =	strace $0xD0000000  }
0x3: {  	_ = 	snop  }
0x4: {  	_ = 	snop  }
0x5: {  	_ = 	snop  }
0x6: {  	_ = 	snop  }
0x7: {  	_ = 	snop  }
__scs_overlays_trampoline_lowered:
0x8: {  	[smem:$0x3FAE] =	sst s0  }
0x9: {  	[smem:$0x3FAF] =	sst s1  }
0xa: {  	[smem:$0x3FB0] =	sst s2  }
0xb: {  	[smem:$0x3FB1] =	sst s3  }
0xc: {  	[smem:$0x3FB2] =	sst s4  }
0xd: {  	[smem:$0x3FB3] =	sst s5  }
0xe: {  	[smem:$0x3FB4] =	sst s6  }
0xf: {  	[smem:$0x3FB5] =	sst s7  }
0x10: {  	[smem:$0x3FB6] =	sst s8  }
0x11: {  	[smem:$0x3FB7] =	sst s9;
	s0 =	simm.s32 @!p0 $0x0  }
0x12: {  	s1 =	sld [smem:$0x3F9D];
	s0 =	simm.s32 @p0 $0x1  }
0x13: {  	[smem:$0x3FB8] =	sst s0;
	s0 =	simm.s32 @!p1 $0x0  }
0x14: {  	s2 =	sld [smem:$0x3F9C];
	s0 =	simm.s32 @p1 $0x1  }
0x15: {  	[smem:$0x3FB9] =	sst s0;
	s0 =	simm.s32 @!p2 $0x0  }
0x16: {  	s3 =	sld [smem:$0x3FDB];
	s0 =	simm.s32 @p2 $0x1  }
0x17: {  	s4 =	simm.s32 $0x1BF5;
	[smem:$0x3FBB] =	sst s0  }
0x18: {  	s0 =	sld [smem:$0x3F9E];
	_ =	swait.ge [sflag:s4], $0x0  }
0x19: {  	s7 =	sld [smem:$0x3F9F]  }
0x1a: {  	s8 =	sadd.s32 $0xFFFFE003, lr  }
0x1b: {  	s9 =	sadd.s32 $0xFFFFFEF7, lr;
	s5 =	simm.s32 $0xFFFFFFFF;
	p2 =	slt.u32 s8, $0xFFFFF086  }
0x1c: {  	p1 =	slt.u32 s9, $0xF7A;
	s5 =	simm.s32 @!p2 $0x0  }
0x1d: {  	s5 =	simm.s32 @p1 $0x1;
	p0 =	seq.s32 s7, s2  }
0x1e: {  	s7 =	smul.u32 @!p0 $0xF7A, s2;
	p2 =	seq.s32 @!p0 s5, $0x0  }
0x1f: {  	s9 =	smul.u32 $0xF7A, s1;
	s8 =	simm.s32 @!p0 $0x1BF5;
	p2 =	por !p2, p0  }
0x20: {  	[sflag:s8] =	ssyncset.s32 @!p0 $0xFFFFF086;
	s6 =	sadd.s32 @!p0 s3, s7;
	s7 =	simm.s32 @!p0 $0x108  }
0x21: {  	s3 =	sadd.s32 s3, s9;
	s6 =	sadd.s32 @!p0 $0x88, s6;
	s7 =	simm.s32 @p2 $0x1082  }
0x22: {  	[simem:s7], [sflag:s8] =	dma.local @!p0 [hbm:s6], $0xF7A  }
0x23: {  	s9 =	sor.u32 $0xD0000000, s2;
	s6 =	simm.s32 $0x108;
	_ =	swait.ge @!p0 [sflag:s8], $0x0  }
0x24: {  	s3 =	sadd.s32 $0x88, s3;
	s6 =	simm.s32 @!p1 $0x1082;
	[sflag:s4] =	ssyncset.s32 $0xFFFFF086  }
0x25: {  	[simem:s6], [sflag:s4] =	dma.local [hbm:s3], $0xF7A  }
0x26: {  	[smem:$0x3F9F] =	sst s1;
	(tag) =	ssettag s2;
	_ =	strace s9  }
0x27: {  	s1 =	sld [smem:$0x3FAF]  }
0x28: {  	s2 =	sld [smem:$0x3FB0]  }
0x29: {  	s4 =	sld [smem:$0x3FB2]  }
0x2a: {  	p0 =	seq.s32 s5, $0x0;
	s5 =	sld [smem:$0x3FB3]  }
0x2b: {  	s6 =	sld [smem:$0x3FB4]  }
0x2c: {  	s7 =	sld [smem:$0x3FB5]  }
0x2d: {  	s3 =	simm.s32 $0x108;
	s8 =	sld [smem:$0x3FB6]  }
0x2e: {  	s3 =	simm.s32 @!p0 $0x1082;
	s9 =	sld [smem:$0x3FB7]  }
0x2f: {  	lr =	sadd.s32 s0, s3;
	s0 =	sld [smem:$0x3FAE]  }
0x30: {  	s3 =	sld [smem:$0x3FB1]  }
0x31: {  	[smem:$0x3FBA] =	sst s10  }
0x32: {  	s10 =	sld [smem:$0x3FB8];
	_ =	sdelay $0x3  }
0x33: {  	p0 =	seq.s32 s10, $0x1;
	s10 =	sld [smem:$0x3FBA];
	_ =	sdelay $0x3  }
0x34: {  	[smem:$0x3FBA] =	sst s10  }
0x35: {  	s10 =	sld [smem:$0x3FB9];
	_ =	sdelay $0x3  }
0x36: {  	p1 =	seq.s32 s10, $0x1;
	s10 =	sld [smem:$0x3FBA];
	_ =	sdelay $0x3  }
0x37: {  	[smem:$0x3FBA] =	sst s10  }
0x38: {  	s10 =	sld [smem:$0x3FBB]  }
0x39: {  	_ = 	snop;
	(pc) =	sbr.ind lr, $3  }
0x3a: {  	_ = 	snop  }
0x3b: {  	_ = 	snop  }
0x3c: {  	p2 =	seq.s32 s10, $0x1;
	s10 =	sld [smem:$0x3FBA]  }
0x3d: {  	_ =	shalt  }
0x3e: {  	_ =	shalt  }
0x3f: {  	_ =	shalt  }
0x40: {  	_ =	shalt  }
0x41: {  	_ =	shalt  }
0x42: {  	_ =	shalt  }
0x43: {  	_ =	shalt  }
0x44: {  	_ =	shalt  }
0x45: {  	_ =	shalt  }
0x46: {  	_ =	shalt  }
0x47: {  	_ =	shalt  }
0x48: {  	_ =	shalt  }
0x49: {  	_ =	shalt  }
0x4a: {  	_ =	shalt  }
0x4b: {  	_ =	shalt  }
0x4c: {  	_ =	shalt  }
0x4d: {  	_ =	shalt  }
0x4e: {  	_ =	shalt  }
0x4f: {  	_ =	shalt  }
0x50: {  	_ =	shalt  }
0x51: {  	_ =	shalt  }
0x52: {  	_ =	shalt  }
0x53: {  	_ =	shalt  }
0x54: {  	_ =	shalt  }
0x55: {  	_ =	shalt  }
0x56: {  	_ =	shalt  }
0x57: {  	_ =	shalt  }
0x58: {  	_ =	shalt  }
0x59: {  	_ =	shalt  }
0x5a: {  	_ =	shalt  }
0x5b: {  	_ =	shalt  }
0x5c: {  	_ =	shalt  }
0x5d: {  	_ =	shalt  }
0x5e: {  	_ =	shalt  }
0x5f: {  	_ =	shalt  }
0x60: {  	_ =	shalt  }
0x61: {  	_ =	shalt  }
0x62: {  	_ =	shalt  }
0x63: {  	_ =	shalt  }
0x64: {  	_ =	shalt  }
0x65: {  	_ =	shalt  }
0x66: {  	_ =	shalt  }
0x67: {  	_ =	shalt  }
0x68: {  	_ =	shalt  }
0x69: {  	_ =	shalt  }
0x6a: {  	_ =	shalt  }
0x6b: {  	_ =	shalt  }
0x6c: {  	_ =	shalt  }
0x6d: {  	_ =	shalt  }
0x6e: {  	_ =	shalt  }
0x6f: {  	_ =	shalt  }
0x70: {  	_ =	shalt  }
0x71: {  	_ =	shalt  }
0x72: {  	_ =	shalt  }
0x73: {  	_ =	shalt  }
0x74: {  	_ =	shalt  }
0x75: {  	_ =	shalt  }
0x76: {  	_ =	shalt  }
0x77: {  	_ =	shalt  }
0x78: {  	_ =	shalt  }
0x79: {  	_ =	shalt  }
0x7a: {  	_ =	shalt  }
0x7b: {  	_ =	shalt  }
0x7c: {  	_ =	shalt  }
0x7d: {  	_ =	shalt  }
0x7e: {  	_ =	shalt  }
0x7f: {  	_ =	shalt  }
0x80: {  	_ =	shalt  }
0x81: {  	_ =	shalt  }
0x82: {  	_ =	shalt  }
0x83: {  	_ =	shalt  }
0x84: {  	_ =	shalt  }
0x85: {  	_ =	shalt  }
0x86: {  	_ =	shalt  }
0x87: {  	_ =	shalt  }
.Lfunc_end0:
.L_simem_size_0:
called_computation_lowered:
.L_overlay_start_0:
0x88: {  	s2 =	sld [smem:$0x3FD9]  }
0x89: {  	s3 =	sld [smem:$0x3FFE];
	_ =	sdelay $0x1  }
0x8a: {  	s1 =	srdreg.scid  }
0x8b: {  	s0 =	sand.u32 $0x1, s1  }
0x8c: {  	s18 =	sshll.u32 s0, $0xA;
	s2 =	sadd.s32 s3, s2  }
0x8d: {  	s2 =	sadd.s32 s2, s18  }
0x8e: {  	[smem:$0x3FC6] =	sst s2  }
0x8f: {  	_ = 	snop  }
0x90: {  	s2 =	sld [smem:$0x3FC9]  }
0x91: {  	s19 =	sld [smem:$0x3FC8]  }
0x92: {  	s4 =	sld [smem:$0x3FD0];
	(tm) =	ssettm $0x1  }
0x93: {  	s5 =	sld [smem:$0x3FFB];
	_ =	sdelay $0x3  }
0x94: {  	_ =	strace s5  }
0x95: {  	s5 =	sld [smem:$0x3FFC];
	_ =	sdelay $0x3  }
0x96: {  	_ =	strace s5  }
0x97: {  	s5 =	sld [smem:$0x3FFD];
	_ =	sdelay $0x3  }
0x98: {  	_ =	strace s5  }
0x99: {  	_ =	strace $0x8FFFFFFF  }
0x9a: {  	s20 =	sld [smem:$0x3FDB];
	_ =	sdelay $0x1  }
0x9b: {  	s6 =	simm.s32 $_scs_section_size  }
0x9c: {  	s7 =	simm.s32 $_size__tile_overlayer_lowered;
	s8 =	simm.s32 $_tile_overlayer_lowered  }
0x9d: {  	s23 =	simm.s32 $0x1BFF;
	s22 =	sshll.u32 s8, $0x1;
	s5 =	sadd.s32 s6, s20  }
0x9e: {  	s9 =	simm.s32 $0x0;
	s21 =	sshll.u32 s7, $0x1;
	s7 =	sadd.s32 s22, s5  }
0x9f: {  	[timem:s9], [sflag:s23] =	dma.local [hbm:s7], s21  }
0xa0: {  	_ =	swait.ge [sflag:s23], s21  }
0xa1: {  	s6 =	ssub.s32 $0x0, s21;
	[sflag:s23] =	ssyncset.done $0x0  }
0xa2: {  	[sflag:s23] =	ssyncadd.s32 s6;
	_ =	sdelay $0x1  }
0xa3: {  	s24 =	simm.s32 $0x1B8B  }
0xa4: {  	_ =	swait.ge [sflag:s24], $0x1  }
0xa5: {  	[sflag:s24] =	ssyncset.done $0x0  }
0xa6: {  	s25 =	simm.s32 $0x1B8E;
	[sflag:s24] =	ssyncadd.s32 $0xFFFFFFFF  }
0xa7: {  	s26 =	simm.s32 $execute0_lowered;
	[smem:$0x3FD2] =	sst s25  }
0xa8: {  	s6 =	sshll.u32 s26, $0x1;
	_ =	strace $0x80000046;
	[dreg:$0x1] =	wrdreg $0xFFFFFFFF  }
0xa9: {  	s28 =	simm.s32 $_size_execute0_lowered;
	s5 =	sadd.s32 s5, s6;
	[dreg:$0x0] =	wrdreg $0x0  }
0xaa: {  	s6 =	sshll.u32 s28, $0x1;
	[dreg:$0x2] =	wrdreg s5  }
0xab: {  	[dreg:$0x3] =	wrdreg s6  }
0xac: {  	[dreg:$0x4] =	wrdreg $0xC0  }
0xad: {  	_ =	task [dreg:s9], $0x5FFFF  }
0xae: {  	[dreg:$0x1] =	wrdreg $0xFFFFFFFF  }
0xaf: {  	[dreg:$0x0] =	wrdreg $0x60  }
0xb0: {  	[dreg:$0x2] =	wrdreg s2  }
0xb1: {  	[dreg:$0x3] =	wrdreg s19  }
0xb2: {  	[dreg:$0x4] =	wrdreg s4  }
0xb3: {  	[dreg:$0x5] =	wrdreg $0x9  }
0xb4: {  	_ =	task.clear_ibuf [dreg:s9], $0x6FFFF;
	_ =	strace $0x90000046  }
0xb5: {  	s29 =	simm.s32 $0x9;
	_ =	strace $0x80000048  }
0xb6: {  	_ =	swait.ge [sflag:s29], $0x1  }
0xb7: {  	[sflag:s29] =	ssyncadd.s32 $0xFFFFFFFF  }
0xb8: {  	_ =	strace $0x90000048  }
0xb9: {  	_ =	sfence  }
0xba: {  	s30 =	sld [smem:$0x0];
	_ =	sdelay $0x2  }
0xbb: {  	s31 =	sshll.u32 s1, $0xD;
	s1 =	sshrl.u32 s1, $0x2  }
0xbc: {  	s3 =	sand.u32 $0x4000, s31;
	s1 =	sadd.s32 s1, s30  }
0xbd: {  	s0 =	sor.u32 s3, s0;
	s1 =	sshll.u32 s1, $0x11  }
0xbe: {  	s0 =	sor.u32 s1, s0  }
0xbf: {  	s0 =	sadd.s32 $0x8F2B, s0  }
0xc0: {  	[sflag:s0] =	ssyncadd.remote.s32 $0x1  }
0xc1: {  	_ =	sfence.sel $0xFFFF  }
0xc2: {  	[dreg:$0x0] =	wrdreg $0xFFFFFFFF;
	(pc) =	sbr.abs _section_cstart, $3  }
0xc3: {  	[dreg:$0x1] =	wrdreg $0xFFFFFFFF  }
0xc4: {  	_ =	task.clear_ibuf [dreg:s9], $0x2FFFF;
	_ =	strace $0x9FFFFFFF  }
0xc5: {  	(tm) =	ssettm $0x7FFFFFFF  }
tec
execute0_lowered:
.L_overlay_start_1:
0x0: {  	(tag) =	ssettag $0x1  }
0x1: {  	s1 =	rddreg [dreg:$0x0];
	s0 =	srdreg.scid  }
0x2: {  	s2 =	stileid.u32;
	s4 =	rddreg [dreg:$0x2];
	s5 =	simm.s32 $0x0  }
0x3: {  	s11 =	simm.s32 $0x180;
	s0 =	sand.u32 $0x1, s0;
	s2 =	sshll.u32 s2, $0x1  }
0x4: {  	s12 =	simm.s32 $0x9180;
	s13 =	simm.s32 $0x1;
	s2 =	sor.u32 s0, s2  }
0x5: {  	s14 =	simm.s32 $0x12180;
	s15 =	simm.s32 $0x2;
	s3 =	smul.u32 $0x1B000, s2  }
0x6: {  	[smem:$0x7FF] =	sst s5;
	s0 =	ssub.s32 $0x2, s0;
	s6 =	smul.u32 $0x18, s2  }
0x7: {  	_ =	strace $0x80000047;
	s7 =	sshrl.u32 s0, $0x1;
	s30 =	sadd.s32 s1, s3  }
0x8: {  	s0 =	ssub.s32 s0, s7;
	s31 =	sor.u32 $0x2, s6;
	[dreg:$0x4] =	wrdreg s30  }
0x9: {  	s16 =	simm.s32 $0x4;
	s0 =	smax.u32 s0, $0x1;
	[dreg:$0x5] =	wrdreg s31  }
0xa: {  	s17 =	simm.s32 $0x16980;
	s2 =	simm.s32 $0x0;
	[dreg:$0x6] =	wrdreg s0  }
.LBB2_1:
0xb: {  	[dreg:$0x7] =	wrdreg s2  }
0xc: {  	s0 =	rddreg [dreg:$0x1];
	s30 =	simm.s32 $0x5  }
0xd: {  	[tilespmem:s5], [sflag:$0x5] =	stream.linear.gather [hbm4b:s0+s5], $0x180, $0x38;
	[tilespmem:$0x1B180] =	vst v63  }
0xe: {  	_ =	swait.ge [sflag:s30], $0x180  }
0xf: {  	[sflag:s30] =	ssyncset.done $0x0  }
0x10: {  	[sflag:s30] =	ssyncadd.s32 $0xFFFFFE80  }
0x11: {  	v41 =	vld [tilespmem:$0x130]  }
0x12: {  	v54 =	vld [tilespmem:$0x80]  }
0x13: {  	v33 =	vld [tilespmem:$0x100]  }
0x14: {  	v61 =	vld [tilespmem:$0xB0]  }
0x15: {  	v62 =	vld [tilespmem:$0xC0]  }
0x16: {  	v39 =	vld [tilespmem:$0xE0];
	v52 =	vand.u32 $0x7F, v41  }
0x17: {  	v57 =	vld [tilespmem:$0x90];
	v29 =	vand.u32 $0x7F, v54;
	[tilespmem:$0x1FDB0] =	vst v52  }
0x18: {  	v8 =	vld [tilespmem:$0x70];
	v14 =	vand.u32 $0x7F, v33;
	[tilespmem:$0x1FDD0] =	vst v29  }
0x19: {  	v1 =	vld [tilespmem:$0x10];
	v48 =	vand.u32 $0x7F, v61;
	[tilespmem:$0x1FE30] =	vst v14  }
0x1a: {  	v2 =	vld [tilespmem:$0x20];
	v49 =	vand.u32 $0x7F, v62;
	[tilespmem:$0x1FE50] =	vst v48  }
0x1b: {  	v3 =	vld [tilespmem:$0x30];
	v50 =	vand.u32 $0x7F, v39;
	[tilespmem:$0x1FE60] =	vst v49  }
0x1c: {  	v4 =	vld [tilespmem:$0x40];
	v9 =	vand.u32 $0x7F, v57;
	[tilespmem:$0x1FE80] =	vst v50  }
0x1d: {  	v31 =	vand.u32 $0x7F, v8;
	[tilespmem:$0x1FED0] =	vst v9  }
0x1e: {  	v35 =	vld [tilespmem:$0x110];
	v19 =	vand.u32 $0x7F, v1;
	[tilespmem:$0x1FF50] =	vst v31  }
0x1f: {  	v58 =	vld [tilespmem:$0xA0];
	v21 =	vand.u32 $0x7F, v2;
	[tilespmem:$0x1FF80] =	vst v19  }
0x20: {  	v38 =	vld [tilespmem:$0xD0];
	v23 =	vand.u32 $0x7F, v3;
	[tilespmem:$0x1FFB0] =	vst v21  }
0x21: {  	v25 =	vand.u32 $0x7F, v4;
	v63 =	vshll.u32 v57, $0x3;
	[tilespmem:$0x1FFD0] =	vst v23  }
0x22: {  	v7 =	vshll.u32 v1, $0x3;
	v53 =	vand.u32 $0xFFFFFC00, v63;
	[tilespmem:$0x1FFF0] =	vst v25  }
0x23: {  	v55 =	vshll.u32 v2, $0x3;
	v20 =	vand.u32 $0xFFFFFC00, v7;
	v7 =	vand.u32 $0x7F, v35;
	[tilespmem:$0x1FD90] =	vst v53  }
0x24: {  	v22 =	vand.u32 $0xFFFFFC00, v55;
	v55 =	vand.u32 $0x7F, v58;
	[tilespmem:$0x1FDA0] =	vst v7  }
0x25: {  	v56 =	vshll.u32 v3, $0x3;
	v1 =	vshll.u32 v58, $0x3;
	v63 =	vand.u32 $0x7F, v38;
	[tilespmem:$0x1FE40] =	vst v55  }
0x26: {  	v6 =	vld [tilespmem:$0x60];
	v34 =	vshll.u32 v61, $0x3;
	v24 =	vand.u32 $0xFFFFFC00, v56;
	v56 =	vand.u32 $0xFFFFFC00, v1;
	[tilespmem:$0x1FE70] =	vst v63  }
0x27: {  	v2 =	vshll.u32 v62, $0x3;
	v57 =	vand.u32 $0xFFFFFC00, v34;
	[tilespmem:$0x1FE90] =	vst v56  }
0x28: {  	v40 =	vshll.u32 v38, $0x3;
	v44 =	vand.u32 $0xFFFFFC00, v2;
	[tilespmem:$0x1FEA0] =	vst v57  }
0x29: {  	v0 =	vld [tilespmem:$0x0];
	v45 =	vshll.u32 v41, $0x3;
	v17 =	vand.u32 $0xFFFFFC00, v40;
	[tilespmem:$0x1FEB0] =	vst v44  }
0x2a: {  	v3 =	vshll.u32 v39, $0x3;
	v61 =	vand.u32 $0xFFFFFC00, v45;
	[tilespmem:$0x1FEC0] =	vst v17  }
0x2b: {  	v36 =	vshll.u32 v6, $0x3;
	v46 =	vand.u32 $0xFFFFFC00, v3;
	[tilespmem:$0x1FF20] =	vst v61  }
0x2c: {  	v37 =	vshll.u32 v8, $0x3;
	v30 =	vand.u32 $0xFFFFFC00, v36;
	[tilespmem:$0x1FF30] =	vst v46  }
0x2d: {  	v32 =	vand.u32 $0xFFFFFC00, v37;
	[tilespmem:$0x1FF40] =	vst v30  }
0x2e: {  	v16 =	vand.u32 $0x7F, v0;
	v0 =	vshll.u32 v0, $0x3;
	[tilespmem:$0x1FF60] =	vst v32  }
0x2f: {  	v18 =	vand.u32 $0xFFFFFC00, v0;
	[tilespmem:$0x1FF70] =	vst v20  }
0x30: {  	v8 =	vld [tilespmem:$0xF0];
	[tilespmem:$0x1FF90] =	vst v18  }
0x31: {  	v59 =	vshll.u32 v4, $0x3;
	v15 =	vand.u32 $0x7F, v6;
	v6 =	vld [tilespmem:$0x150];
	[tilespmem:$0x1FFA0] =	vst v22  }
0x32: {  	v5 =	vld [tilespmem:$0x50];
	v26 =	vand.u32 $0xFFFFFC00, v59;
	v0 =	vshll.u32 v54, $0x3;
	[tilespmem:$0x1FFC0] =	vst v24  }
0x33: {  	v42 =	vshll.u32 v35, $0x3;
	v1 =	vld [tilespmem:$0x120];
	v11 =	vand.u32 $0xFFFFFC00, v0;
	[tilespmem:$0x1FFE0] =	vst v26  }
0x34: {  	v59 =	vld [tilespmem:$0x160];
	v0 =	vshll.u32 v33, $0x3;
	v33 =	vand.u32 $0xFFFFFC00, v42;
	[tilespmem:$0x1FD80] =	vst v11  }
0x35: {  	s31 =	rddreg [dreg:$0x4];
	v54 =	vld [tilespmem:$0x140];
	v37 =	vand.u32 $0xFFFFFC00, v0;
	[tilespmem:$0x1FEF0] =	vst v33  }
0x36: {  	[tilespmem:$0x1FF00] =	vst v37;
	v58 =	vshll.u32 v8, $0x3;
	v51 =	vand.u32 $0x7F, v8;
	v8 =	vld [tilespmem:$0x170];
	[tilespmem:s11], [sflag:$0x1] =	stream.linear.gather [hbm4b:s31+s5], $0x9000, $0x38;
	v38 =	vand.u32 $0x7F, v6  }
0x37: {  	[tilespmem:$0x1FD50] =	vst v38  }
0x38: {  	v47 =	vand.u32 $0x7F, v1;
	[tilespmem:$0x1FE10] =	vst v51  }
0x39: {  	v40 =	vand.u32 $0x7F, v59;
	[tilespmem:$0x1FD40] =	vst v47  }
0x3a: {  	v39 =	vand.u32 $0x7F, v54;
	[tilespmem:$0x1FD60] =	vst v40  }
0x3b: {  	v12 =	vand.u32 $0xFFFFFC00, v58;
	v59 =	vshll.u32 v59, $0x3;
	[tilespmem:$0x1FDC0] =	vst v39  }
0x3c: {  	v58 =	vshll.u32 v6, $0x3;
	v36 =	vand.u32 $0xFFFFFC00, v59;
	[tilespmem:$0x1FE20] =	vst v12  }
0x3d: {  	v60 =	vshll.u32 v5, $0x3;
	v43 =	vshll.u32 v1, $0x3;
	v10 =	vand.u32 $0xFFFFFC00, v58;
	[tilespmem:$0x1FDF0] =	vst v36  }
0x3e: {  	v28 =	vand.u32 $0xFFFFFC00, v60;
	v54 =	vshll.u32 v54, $0x3;
	v60 =	vand.u32 $0xFFFFFC00, v43;
	[tilespmem:$0x1FE00] =	vst v10  }
0x3f: {  	v34 =	vand.u32 $0xFFFFFC00, v54;
	[tilespmem:$0x1FEE0] =	vst v60  }
0x40: {  	[tilespmem:$0x1FF10] =	vst v34;
	v62 =	vshll.u32 v8, $0x3;
	v45 =	vand.u32 $0x7F, v8  }
0x41: {  	v35 =	vand.u32 $0xFFFFFC00, v62;
	[tilespmem:$0x1FD70] =	vst v45  }
0x42: {  	s20 =	simm.s32 $0x0;
	v27 =	vand.u32 $0x7F, v5;
	[tilespmem:$0x1FDE0] =	vst v35  }
.LBB2_2:
0x43: {  	s22 =	sshll.u32 s20, $0x1  }
0x44: {  	s0 =	simm.s32 $0x1;
	s23 =	sadd.s32 s6, s22  }
0x45: {  	s2 =	simm.s32 $0x0;
	v0 =	vmov s0;
	s21 =	sadd.s32 $0x1, s23  }
0x46: {  	v2 =	vmov s2;
	v1 =	vshrl.u32 v0, $0x3;
	s3 =	smul.u32 $0x1200, s21  }
0x47: {  	v43 =	vmov v48;
	v48 =	vmul.u32 $0x1800, v1;
	v1 =	vshrl.u32 v2, $0x3  }
0x48: {  	v0 =	vshll.u32 v0, $0x7;
	v1 =	vmul.u32 $0x1800, v1;
	s0 =	sadd.s32 s1, s3  }
0x49: {  	v41 =	vmovc v49;
	v49 =	vand.u32 $0x380, v0;
	v2 =	vshll.u32 v2, $0x7;
	v3 =	vadd.s32 v18, v48;
	[tilespmem:s12], [sflag:$0x2] =	stream.linear.gather [hbm4b:s0+s5], $0x9000, $0x38;
	[tilespmem:$0x1B180] =	vst v63  }
0x4a: {  	v13 =	vmovc v50;
	v50 =	vand.u32 $0x300, v2;
	v0 =	vor.u32 v49, v3;
	v2 =	vadd.s32 v18, v1;
	_ =	swait.ge [sflag:s13], $0x9000  }
0x4b: {  	p0 =	seq.s32 s20, $0x0;
	v0 =	vor.u32 v16, v0;
	v2 =	vor.u32 v50, v2;
	[sflag:s13] =	ssyncset.done $0x0  }
0x4c: {  	s0 =	simm.s32 @!p0 $0x3;
	v2 =	vor.u32 v16, v2;
	[sflag:s13] =	ssyncadd.s32 $0xFFFF7000  }
0x4d: {  	_ =	swait.ge @!p0 [sflag:s0], $0x4800  }
0x4e: {  	[sflag:s0] =	ssyncset.done @!p0 $0x0  }
0x4f: {  	s7 =	simm.s32 $0x0;
	v3 =	vadd.s32 v20, v48;
	[sflag:s0] =	ssyncadd.s32 @!p0 $0xFFFFB800  }
0x50: {  	v4 =	vadd.s32 v20, v1;
	v3 =	vor.u32 v49, v3;
	s0 =	smul.u32 $0x3000, s7;
	v0 =	vld.idx.msk [tilespmem:v0+s11+$0x0], $0xffff  }
0x51: {  	v4 =	vor.u32 v50, v4;
	v3 =	vor.u32 v19, v3;
	v2 =	vld.idx.msk [tilespmem:v2+s11+$0x0], $0xffff  }
0x52: {  	s8 =	simm.s32 $0x80;
	v4 =	vor.u32 v19, v4;
	s26 =	sshra.s32 s0, $0x2  }
0x53: {  	s25 =	sand.u32 $0x380, s8;
	s3 =	simm.s32 $0x0;
	s0 =	sadd.s32 $0x12180, s26  }
0x54: {  	s24 =	sand.u32 $0x300, s3;
	s2 =	sadd.s32 s25, s0  }
0x55: {  	s0 =	sadd.s32 s24, s0;
	[tilespmem:s2+$0x0] =	vst v0;
	v0 =	vadd.s32 v22, v48  }
0x56: {  	[tilespmem:s0+$0x0] =	vst v2;
	v2 =	vadd.s32 v22, v1;
	v3 =	vld.idx.msk [tilespmem:v3+s11+$0x0], $0xffff;
	v0 =	vor.u32 v49, v0  }
0x57: {  	v4 =	vld.idx.msk [tilespmem:v4+s11+$0x0], $0xffff;
	v2 =	vor.u32 v50, v2;
	v0 =	vor.u32 v21, v0  }
0x58: {  	v2 =	vor.u32 v21, v2;
	_ =	sdelay $0x2  }
0x59: {  	[tilespmem:s2+$0x10] =	vst v3;
	v3 =	vadd.s32 v24, v48  }
0x5a: {  	[tilespmem:s0+$0x10] =	vst v4;
	v4 =	vadd.s32 v24, v1;
	v0 =	vld.idx.msk [tilespmem:v0+s11+$0x0], $0xffff;
	v3 =	vor.u32 v49, v3  }
0x5b: {  	v2 =	vld.idx.msk [tilespmem:v2+s11+$0x0], $0xffff;
	v4 =	vor.u32 v50, v4;
	v3 =	vor.u32 v23, v3  }
0x5c: {  	v4 =	vor.u32 v23, v4;
	_ =	sdelay $0x2  }
0x5d: {  	[tilespmem:s2+$0x20] =	vst v0;
	v0 =	vadd.s32 v26, v48  }
0x5e: {  	[tilespmem:s0+$0x20] =	vst v2;
	v2 =	vadd.s32 v26, v1;
	v3 =	vld.idx.msk [tilespmem:v3+s11+$0x0], $0xffff;
	v0 =	vor.u32 v49, v0  }
0x5f: {  	v4 =	vld.idx.msk [tilespmem:v4+s11+$0x0], $0xffff;
	v2 =	vor.u32 v50, v2;
	v0 =	vor.u32 v25, v0  }
0x60: {  	v2 =	vor.u32 v25, v2;
	_ =	sdelay $0x2  }
0x61: {  	[tilespmem:s2+$0x30] =	vst v3;
	v3 =	vadd.s32 v28, v48  }
0x62: {  	[tilespmem:s0+$0x30] =	vst v4;
	v4 =	vadd.s32 v28, v1;
	v0 =	vld.idx.msk [tilespmem:v0+s11+$0x0], $0xffff;
	v3 =	vor.u32 v49, v3  }
0x63: {  	v2 =	vld.idx.msk [tilespmem:v2+s11+$0x0], $0xffff;
	v4 =	vor.u32 v50, v4;
	v3 =	vor.u32 v27, v3  }
0x64: {  	v4 =	vor.u32 v27, v4;
	_ =	sdelay $0x2  }
0x65: {  	[tilespmem:s2+$0x40] =	vst v0;
	v0 =	vadd.s32 v30, v48  }
0x66: {  	[tilespmem:s0+$0x40] =	vst v2;
	v2 =	vadd.s32 v30, v1;
	v3 =	vld.idx.msk [tilespmem:v3+s11+$0x0], $0xffff;
	v0 =	vor.u32 v49, v0  }
0x67: {  	v4 =	vld.idx.msk [tilespmem:v4+s11+$0x0], $0xffff;
	v2 =	vor.u32 v50, v2;
	v0 =	vor.u32 v15, v0  }
0x68: {  	v2 =	vor.u32 v15, v2;
	_ =	sdelay $0x2  }
0x69: {  	[tilespmem:s2+$0x50] =	vst v3;
	v3 =	vadd.s32 v32, v48  }
0x6a: {  	[tilespmem:s0+$0x50] =	vst v4;
	v4 =	vadd.s32 v32, v1;
	v0 =	vld.idx.msk [tilespmem:v0+s11+$0x0], $0xffff;
	v3 =	vor.u32 v49, v3  }
0x6b: {  	v2 =	vld.idx.msk [tilespmem:v2+s11+$0x0], $0xffff;
	v4 =	vor.u32 v50, v4;
	v3 =	vor.u32 v31, v3  }
0x6c: {  	s9 =	simm.s32 $0x3;
	v4 =	vor.u32 v31, v4  }
0x6d: {  	s10 =	simm.s32 $0x2;
	v5 =	vmov s9  }
0x6e: {  	v7 =	vmov s10;
	v6 =	vshrl.u32 v5, $0x3  }
0x6f: {  	v40 =	vmovc v51;
	v5 =	vshll.u32 v5, $0x7;
	v51 =	vmul.u32 $0x1800, v6;
	[tilespmem:s2+$0x60] =	vst v0;
	v0 =	vadd.s32 v11, v48  }
0x70: {  	v6 =	vshrl.u32 v7, $0x3;
	[tilespmem:s0+$0x60] =	vst v2;
	v2 =	vadd.s32 v11, v1;
	v3 =	vld.idx.msk [tilespmem:v3+s11+$0x0], $0xffff;
	v0 =	vor.u32 v49, v0  }
0x71: {  	v54 =	vmul.u32 $0x1800, v6;
	v4 =	vld.idx.msk [tilespmem:v4+s11+$0x0], $0xffff;
	v2 =	vor.u32 v50, v2;
	v0 =	vor.u32 v29, v0  }
0x72: {  	v52 =	vand.u32 $0x380, v5;
	v6 =	vshll.u32 v7, $0x7;
	v2 =	vor.u32 v29, v2  }
0x73: {  	v42 =	vmovc v53;
	v5 =	vadd.s32 v53, v48;
	v53 =	vand.u32 $0x300, v6;
	v6 =	vadd.s32 v18, v54  }
0x74: {  	v8 =	vadd.s32 v18, v51;
	v6 =	vor.u32 v53, v6  }
0x75: {  	v6 =	vor.u32 v16, v6;
	[tilespmem:s2+$0x70] =	vst v3;
	v3 =	vor.u32 v52, v8  }
0x76: {  	[tilespmem:s0+$0x70] =	vst v4;
	v0 =	vld.idx.msk [tilespmem:v0+s11+$0x0], $0xffff;
	v3 =	vor.u32 v16, v3  }
0x77: {  	v5 =	vor.u32 v49, v5;
	v4 =	vadd.s32 v42, v1;
	v2 =	vld.idx.msk [tilespmem:v2+s11+$0x0], $0xffff  }
0x78: {  	v5 =	vor.u32 v9, v5;
	v4 =	vor.u32 v50, v4  }
0x79: {  	s19 =	simm.s32 $0x0;
	s18 =	sadd.s32 $0x12580, s26;
	v4 =	vor.u32 v9, v4  }
0x7a: {  	v7 =	vadd.s32 v20, v51;
	v6 =	vld.idx.msk [tilespmem:v6+s11+$0x0], $0xffff;
	s9 =	sadd.s32 s25, s18;
	s2 =	smul.u32 $0x3000, s19  }
0x7b: {  	s31 =	sadd.s32 s24, s18;
	v8 =	vadd.s32 v20, v54;
	v3 =	vld.idx.msk [tilespmem:v3+s11+$0x0], $0xffff;
	[tilespmem:s9+$0x0] =	vst v0;
	v0 =	vor.u32 v52, v7  }
0x7c: {  	s7 =	simm.s32 $0x100;
	s0 =	simm.s32 $0x180;
	s29 =	sshra.s32 s2, $0x2;
	v7 =	vadd.s32 v56, v48;
	[tilespmem:s31+$0x0] =	vst v2;
	v2 =	vor.u32 v53, v8;
	v0 =	vor.u32 v19, v0  }
0x7d: {  	s28 =	sand.u32 $0x300, s7;
	s30 =	sand.u32 $0x380, s0;
	s2 =	sadd.s32 $0x12180, s29;
	v5 =	vld.idx.msk [tilespmem:v5+s11+$0x0], $0xffff;
	v7 =	vor.u32 v49, v7;
	v2 =	vor.u32 v19, v2  }
0x7e: {  	s3 =	sadd.s32 s30, s2;
	s2 =	sadd.s32 s28, s2;
	v4 =	vld.idx.msk [tilespmem:v4+s11+$0x0], $0xffff;
	v7 =	vor.u32 v55, v7  }
0x7f: {  	v9 =	vadd.s32 v56, v1;
	[tilespmem:s2+$0x0] =	vst v6  }
0x80: {  	v8 =	vor.u32 v50, v9;
	[tilespmem:s3+$0x0] =	vst v3  }
0x81: {  	v6 =	vadd.s32 v22, v54;
	v8 =	vor.u32 v55, v8;
	v3 =	vadd.s32 v22, v51;
	v0 =	vld.idx.msk [tilespmem:v0+s11+$0x0], $0xffff  }
0x82: {  	[tilespmem:s9+$0x10] =	vst v5;
	v3 =	vor.u32 v52, v3;
	v5 =	vadd.s32 v57, v48;
	v2 =	vld.idx.msk [tilespmem:v2+s11+$0x0], $0xffff  }
0x83: {  	[tilespmem:s31+$0x10] =	vst v4;
	v4 =	vor.u32 v53, v6;
	v7 =	vld.idx.msk [tilespmem:v7+s11+$0x0], $0xffff;
	v3 =	vor.u32 v21, v3  }
0x84: {  	v5 =	vor.u32 v49, v5;
	v4 =	vor.u32 v21, v4  }
0x85: {  	v9 =	vadd.s32 v57, v1;
	v5 =	vor.u32 v43, v5  }
0x86: {  	v6 =	vld.idx.msk [tilespmem:v8+s11+$0x0], $0xffff;
	v8 =	vor.u32 v50, v9;
	[tilespmem:s3+$0x10] =	vst v0  }
0x87: {  	v8 =	vor.u32 v43, v8;
	v0 =	vadd.s32 v24, v51;
	[tilespmem:s2+$0x10] =	vst v2  }
0x88: {  	v2 =	vadd.s32 v24, v54;
	v3 =	vld.idx.msk [tilespmem:v3+s11+$0x0], $0xffff;
	[tilespmem:s9+$0x20] =	vst v7;
	v0 =	vor.u32 v52, v0  }
0x89: {  	v7 =	vadd.s32 v44, v48;
	v4 =	vld.idx.msk [tilespmem:v4+s11+$0x0], $0xffff;
	v2 =	vor.u32 v53, v2;
	v0 =	vor.u32 v23, v0  }
0x8a: {  	v5 =	vld.idx.msk [tilespmem:v5+s11+$0x0], $0xffff;
	v7 =	vor.u32 v49, v7;
	v2 =	vor.u32 v23, v2  }
0x8b: {  	v7 =	vor.u32 v41, v7  }
0x8c: {  	v9 =	vadd.s32 v44, v1;
	[tilespmem:s31+$0x20] =	vst v6  }
0x8d: {  	v6 =	vld.idx.msk [tilespmem:v8+s11+$0x0], $0xffff;
	v8 =	vor.u32 v50, v9;
	[tilespmem:s3+$0x20] =	vst v3  }
0x8e: {  	v8 =	vor.u32 v41, v8;
	v3 =	vadd.s32 v26, v51;
	[tilespmem:s2+$0x20] =	vst v4;
	v0 =	vld.idx.msk [tilespmem:v0+s11+$0x0], $0xffff  }
0x8f: {  	v4 =	vadd.s32 v26, v54;
	[tilespmem:s9+$0x30] =	vst v5;
	v3 =	vor.u32 v52, v3;
	v2 =	vld.idx.msk [tilespmem:v2+s11+$0x0], $0xffff  }
0x90: {  	v5 =	vadd.s32 v17, v48;
	v4 =	vor.u32 v53, v4;
	v7 =	vld.idx.msk [tilespmem:v7+s11+$0x0], $0xffff;
	v3 =	vor.u32 v25, v3  }
0x91: {  	v5 =	vor.u32 v49, v5;
	v4 =	vor.u32 v25, v4  }
0x92: {  	v9 =	vadd.s32 v17, v1;
	[tilespmem:s31+$0x30] =	vst v6;
	v5 =	vor.u32 v63, v5  }
0x93: {  	v6 =	vld.idx.msk [tilespmem:v8+s11+$0x0], $0xffff;
	v8 =	vor.u32 v50, v9;
	[tilespmem:s3+$0x30] =	vst v0  }
0x94: {  	v8 =	vor.u32 v63, v8;
	v0 =	vadd.s32 v28, v51;
	[tilespmem:s2+$0x30] =	vst v2  }
0x95: {  	v2 =	vadd.s32 v28, v54;
	v3 =	vld.idx.msk [tilespmem:v3+s11+$0x0], $0xffff;
	[tilespmem:s9+$0x40] =	vst v7;
	v0 =	vor.u32 v52, v0  }
0x96: {  	v7 =	vadd.s32 v46, v48;
	v4 =	vld.idx.msk [tilespmem:v4+s11+$0x0], $0xffff;
	v2 =	vor.u32 v53, v2;
	v0 =	vor.u32 v27, v0  }
0x97: {  	v5 =	vld.idx.msk [tilespmem:v5+s11+$0x0], $0xffff;
	v7 =	vor.u32 v49, v7;
	v2 =	vor.u32 v27, v2  }
0x98: {  	v9 =	vadd.s32 v46, v1;
	[tilespmem:s31+$0x40] =	vst v6;
	v7 =	vor.u32 v13, v7  }
0x99: {  	v6 =	vld.idx.msk [tilespmem:v8+s11+$0x0], $0xffff;
	v8 =	vor.u32 v50, v9  }
0x9a: {  	v58 =	vadd.s32 v10, v1;
	v8 =	vor.u32 v13, v8;
	[tilespmem:s3+$0x40] =	vst v3  }
0x9b: {  	v59 =	vadd.s32 v34, v1;
	v3 =	vadd.s32 v30, v51;
	[tilespmem:s2+$0x40] =	vst v4;
	v0 =	vld.idx.msk [tilespmem:v0+s11+$0x0], $0xffff  }
0x9c: {  	v45 =	vmov v55;
	[tilespmem:s9+$0x50] =	vst v5;
	v3 =	vor.u32 v52, v3;
	v5 =	vadd.s32 v12, v48;
	v2 =	vld.idx.msk [tilespmem:v2+s11+$0x0], $0xffff  }
0x9d: {  	v62 =	vadd.s32 v61, v1;
	v7 =	vld.idx.msk [tilespmem:v7+s11+$0x0], $0xffff;
	v3 =	vor.u32 v15, v3;
	v5 =	vor.u32 v49, v5  }
0x9e: {  	v61 =	vadd.s32 v17, v54;
	v55 =	vadd.s32 v35, v1;
	[tilespmem:s31+$0x50] =	vst v6;
	v4 =	vor.u32 v40, v5  }
0x9f: {  	v57 =	vadd.s32 v36, v1;
	v6 =	vadd.s32 v12, v1;
	v8 =	vld.idx.msk [tilespmem:v8+s11+$0x0], $0xffff;
	v5 =	vadd.s32 v30, v54  }
0xa0: {  	v12 =	vmov v63;
	v63 =	vadd.s32 v44, v54;
	v5 =	vor.u32 v53, v5;
	[tilespmem:s3+$0x50] =	vst v0  }
0xa1: {  	v6 =	vor.u32 v50, v6;
	v5 =	vor.u32 v15, v5;
	v0 =	vadd.s32 v32, v51;
	[tilespmem:s2+$0x50] =	vst v2  }
0xa2: {  	v6 =	vor.u32 v40, v6;
	v9 =	vld.idx.msk [tilespmem:v3+s11+$0x0], $0xffff;
	[tilespmem:s9+$0x60] =	vst v7;
	v0 =	vor.u32 v52, v0  }
0xa3: {  	s7 =	simm.s32 $0x4;
	v2 =	vadd.s32 v33, v1;
	v3 =	vadd.s32 v37, v48;
	v35 =	vld.idx.msk [tilespmem:v4+s11+$0x0], $0xffff;
	v4 =	vor.u32 v31, v0  }
0xa4: {  	v7 =	vmov s7;
	[tilespmem:s31+$0x60] =	vst v8;
	v3 =	vor.u32 v49, v3;
	v0 =	vadd.s32 v60, v1  }
0xa5: {  	v34 =	vmovc v11;
	v36 =	vmovc v42;
	v40 =	vshll.u32 v7, $0x7;
	v1 =	vadd.s32 v37, v1;
	v37 =	vld [tilespmem:$0x1FDB0];
	v30 =	vor.u32 v14, v3  }
0xa6: {  	v44 =	vmovc v24;
	v10 =	vshrl.u32 v7, $0x3;
	v60 =	vadd.s32 v46, v54;
	v3 =	vld.idx.msk [tilespmem:v5+s11+$0x0], $0xffff;
	v5 =	vadd.s32 v32, v54  }
0xa7: {  	v6 =	vld.idx.msk [tilespmem:v6+s11+$0x0], $0xffff;
	v46 =	vmov v20;
	v1 =	vor.u32 v50, v1;
	v5 =	vor.u32 v53, v5;
	[tilespmem:s3+$0x60] =	vst v9  }
0xa8: {  	v56 =	vand.u32 $0x300, v40;
	v8 =	vor.u32 v31, v5;
	v5 =	vadd.s32 v11, v51;
	v7 =	vld.idx.msk [tilespmem:v4+s11+$0x0], $0xffff;
	[tilespmem:s9+$0x70] =	vst v35  }
0xa9: {  	v32 =	vmovc v45;
	v45 =	vmovc v13;
	v4 =	vor.u32 v14, v1;
	v9 =	vor.u32 v52, v5;
	v35 =	vmov v18;
	v18 =	vld [tilespmem:$0x1FDA0]  }
0xaa: {  	s10 =	simm.s32 $0x5;
	v40 =	vmovc v25;
	s9 =	simm.s32 $0x6;
	v1 =	vadd.s32 v33, v48;
	v33 =	vmovc v29;
	v5 =	vld.idx.msk [tilespmem:v30+s11+$0x0], $0xffff;
	v30 =	vmov v43;
	v43 =	vmov v12  }
.LBB2_3:
0xab: {  	v11 =	vmov s10  }
0xac: {  	v12 =	vor.u32 v33, v9;
	v13 =	vor.u32 v49, v1;
	v1 =	vmovc v54;
	v31 =	vld [tilespmem:$0x1FEA0];
	v42 =	vshrl.u32 v11, $0x3  }
0xad: {  	v2 =	vor.u32 v50, v2;
	v24 =	vld [tilespmem:$0x1FED0];
	[tilespmem:s2+$0x60] =	vst v3;
	v3 =	vmul.u32 $0x1800, v42;
	v42 =	vadd.s32 v34, v1  }
0xae: {  	v13 =	vor.u32 v18, v13;
	v8 =	vld.idx.msk [tilespmem:v8+s11+$0x0], $0xffff;
	[tilespmem:s31+$0x70] =	vst v6;
	v6 =	vshll.u32 v11, $0x7;
	v11 =	vor.u32 v53, v42  }
0xaf: {  	v14 =	vor.u32 v18, v2;
	v4 =	vld.idx.msk [tilespmem:v4+s11+$0x0], $0xffff;
	v2 =	vand.u32 $0x380, v6;
	v6 =	vor.u32 v33, v11  }
0xb0: {  	s18 =	sadd.s32 $0x12980, s26;
	v29 =	vmov v15;
	v54 =	vmul.u32 $0x1800, v10;
	v42 =	vld [tilespmem:$0x1FEE0];
	v15 =	vadd.s32 v35, v3  }
0xb1: {  	v25 =	vld [tilespmem:$0x1FE90];
	s10 =	sadd.s32 s24, s18;
	s18 =	sadd.s32 s25, s18;
	[tilespmem:s3+$0x70] =	vst v7;
	v11 =	vadd.s32 v36, v51;
	v7 =	vor.u32 v2, v15  }
0xb2: {  	v10 =	vld.idx.msk [tilespmem:v12+s11+$0x0], $0xffff;
	[tilespmem:s18+$0x0] =	vst v5;
	v15 =	vadd.s32 v35, v54;
	v5 =	vor.u32 v16, v7  }
0xb3: {  	v7 =	vor.u32 v52, v11;
	v11 =	vld.idx.msk [tilespmem:v13+s11+$0x0], $0xffff;
	v15 =	vor.u32 v56, v15;
	[tilespmem:s2+$0x70] =	vst v8  }
0xb4: {  	v7 =	vor.u32 v24, v7;
	v8 =	vadd.s32 v36, v1;
	v6 =	vld.idx.msk [tilespmem:v6+s11+$0x0], $0xffff;
	[tilespmem:s10+$0x0] =	vst v4  }
0xb5: {  	s26 =	smov.u32 s29;
	v12 =	vadd.s32 v42, v48;
	v4 =	vor.u32 v16, v15;
	v8 =	vor.u32 v53, v8;
	v14 =	vld.idx.msk [tilespmem:v14+s11+$0x0], $0xffff  }
0xb6: {  	s25 =	smov.u32 s30;
	s3 =	sadd.s32 $0x12580, s26;
	v12 =	vor.u32 v49, v12;
	v8 =	vor.u32 v24, v8;
	v24 =	vld [tilespmem:$0x1FF20]  }
0xb7: {  	v0 =	vor.u32 v50, v0;
	s19 =	sadd.s32 s25, s3;
	v15 =	vadd.s32 v46, v3;
	v12 =	vor.u32 v47, v12;
	v5 =	vld.idx.msk [tilespmem:v5+s11+$0x0], $0xffff  }
0xb8: {  	s8 =	sshrl.u32 s7, $0x3;
	v13 =	vadd.s32 v25, v1;
	[tilespmem:s19+$0x0] =	vst v10;
	v10 =	vor.u32 v2, v15;
	v15 =	vadd.s32 v25, v51;
	v25 =	vld [tilespmem:$0x1FF10]  }
0xb9: {  	s24 =	smov.u32 s28;
	v0 =	vor.u32 v47, v0;
	s2 =	smul.u32 $0x3000, s8;
	v7 =	vld.idx.msk [tilespmem:v7+s11+$0x0], $0xffff  }
0xba: {  	v17 =	vmov v16;
	s31 =	sadd.s32 s24, s3;
	[tilespmem:s18+$0x10] =	vst v11;
	v10 =	vor.u32 v19, v10;
	v11 =	vor.u32 v52, v15;
	v4 =	vld.idx.msk [tilespmem:v4+s11+$0x0], $0xffff  }
0xbb: {  	s0 =	sadd.s32 $0x100, s0;
	v16 =	vadd.s32 v46, v54;
	s29 =	sshra.s32 s2, $0x2;
	v11 =	vor.u32 v32, v11;
	[tilespmem:s31+$0x0] =	vst v6;
	v6 =	vor.u32 v50, v62;
	v62 =	vld [tilespmem:$0x1FE00]  }
0xbc: {  	s30 =	sand.u32 $0x380, s0;
	s3 =	sadd.s32 $0xFFFFFF80, s0;
	v13 =	vor.u32 v53, v13;
	v20 =	vor.u32 v56, v16;
	s8 =	sadd.s32 $0x12180, s29;
	v12 =	vld.idx.msk [tilespmem:v12+s11+$0x0], $0xffff  }
0xbd: {  	s28 =	sand.u32 $0x300, s3;
	s3 =	sadd.s32 s30, s8;
	v15 =	vadd.s32 v24, v48;
	v8 =	vld.idx.msk [tilespmem:v8+s11+$0x0], $0xffff;
	[tilespmem:s10+$0x10] =	vst v14;
	v14 =	vor.u32 v19, v20  }
0xbe: {  	v13 =	vor.u32 v32, v13;
	v15 =	vor.u32 v49, v15;
	[tilespmem:s3+$0x0] =	vst v5;
	v0 =	vld.idx.msk [tilespmem:v0+s11+$0x0], $0xffff  }
0xbf: {  	v5 =	vor.u32 v37, v6;
	v6 =	vld.idx.msk [tilespmem:v10+s11+$0x0], $0xffff;
	v10 =	vadd.s32 v22, v3;
	[tilespmem:s19+$0x10] =	vst v7  }
0xc0: {  	s2 =	sadd.s32 s28, s8;
	v15 =	vor.u32 v37, v15;
	v7 =	vor.u32 v2, v10;
	v10 =	vld.idx.msk [tilespmem:v11+s11+$0x0], $0xffff  }
0xc1: {  	v9 =	vadd.s32 v31, v1;
	v11 =	vadd.s32 v31, v51;
	v31 =	vld [tilespmem:$0x1FEB0];
	v7 =	vor.u32 v21, v7;
	[tilespmem:s2+$0x0] =	vst v4  }
0xc2: {  	v11 =	vor.u32 v52, v11;
	v4 =	vadd.s32 v22, v54;
	[tilespmem:s18+$0x20] =	vst v12;
	v14 =	vld.idx.msk [tilespmem:v14+s11+$0x0], $0xffff  }
0xc3: {  	v11 =	vor.u32 v30, v11;
	[tilespmem:s31+$0x10] =	vst v8;
	v8 =	vor.u32 v50, v59;
	v4 =	vor.u32 v56, v4;
	v59 =	vld [tilespmem:$0x1FDF0]  }
0xc4: {  	v13 =	vld.idx.msk [tilespmem:v13+s11+$0x0], $0xffff;
	[tilespmem:s10+$0x20] =	vst v0;
	v0 =	vor.u32 v21, v4  }
0xc5: {  	v9 =	vor.u32 v53, v9;
	v12 =	vld.idx.msk [tilespmem:v15+s11+$0x0], $0xffff;
	v15 =	vadd.s32 v25, v48  }
0xc6: {  	[tilespmem:s3+$0x10] =	vst v6;
	v4 =	vld.idx.msk [tilespmem:v5+s11+$0x0], $0xffff;
	v5 =	vor.u32 v39, v8;
	v8 =	vor.u32 v30, v9  }
0xc7: {  	v15 =	vor.u32 v49, v15;
	v6 =	vld.idx.msk [tilespmem:v7+s11+$0x0], $0xffff;
	[tilespmem:s19+$0x20] =	vst v10  }
0xc8: {  	v15 =	vor.u32 v39, v15;
	v7 =	vadd.s32 v44, v3;
	v9 =	vld.idx.msk [tilespmem:v11+s11+$0x0], $0xffff;
	[tilespmem:s2+$0x10] =	vst v14  }
0xc9: {  	v10 =	vadd.s32 v31, v51;
	v7 =	vor.u32 v2, v7;
	v0 =	vld.idx.msk [tilespmem:v0+s11+$0x0], $0xffff  }
0xca: {  	v10 =	vor.u32 v52, v10;
	v14 =	vadd.s32 v44, v54;
	[tilespmem:s31+$0x20] =	vst v13;
	v13 =	vor.u32 v50, v58;
	v58 =	vld [tilespmem:$0x1FD70]  }
0xcb: {  	v7 =	vor.u32 v23, v7;
	v10 =	vor.u32 v41, v10;
	v8 =	vld.idx.msk [tilespmem:v8+s11+$0x0], $0xffff;
	[tilespmem:s10+$0x30] =	vst v4  }
0xcc: {  	v14 =	vor.u32 v56, v14;
	[tilespmem:s18+$0x30] =	vst v12;
	v12 =	vadd.s32 v62, v48;
	v5 =	vld.idx.msk [tilespmem:v5+s11+$0x0], $0xffff  }
0xcd: {  	v4 =	vor.u32 v23, v14;
	v12 =	vor.u32 v49, v12;
	v11 =	vld.idx.msk [tilespmem:v15+s11+$0x0], $0xffff  }
0xce: {  	v12 =	vor.u32 v38, v12;
	v15 =	vor.u32 v53, v63;
	[tilespmem:s3+$0x20] =	vst v6;
	v6 =	vor.u32 v38, v13;
	v63 =	vld [tilespmem:$0x1FEC0]  }
0xcf: {  	v13 =	vadd.s32 v26, v3;
	v14 =	vor.u32 v41, v15;
	v15 =	vor.u32 v53, v61;
	v61 =	vld [tilespmem:$0x1FF30]  }
0xd0: {  	v7 =	vld.idx.msk [tilespmem:v7+s11+$0x0], $0xffff;
	[tilespmem:s19+$0x30] =	vst v9;
	v9 =	vor.u32 v2, v13  }
0xd1: {  	[tilespmem:s2+$0x20] =	vst v0;
	v10 =	vld.idx.msk [tilespmem:v10+s11+$0x0], $0xffff;
	v9 =	vor.u32 v40, v9  }
0xd2: {  	v0 =	vadd.s32 v26, v54;
	v4 =	vld.idx.msk [tilespmem:v4+s11+$0x0], $0xffff;
	[tilespmem:s31+$0x30] =	vst v8  }
0xd3: {  	v8 =	vor.u32 v50, v57;
	v57 =	vld [tilespmem:$0x1FD60];
	v0 =	vor.u32 v56, v0;
	v13 =	vadd.s32 v63, v51;
	[tilespmem:s18+$0x40] =	vst v11  }
0xd4: {  	v0 =	vor.u32 v40, v0;
	v11 =	vor.u32 v52, v13;
	v12 =	vld.idx.msk [tilespmem:v12+s11+$0x0], $0xffff  }
0xd5: {  	v14 =	vld.idx.msk [tilespmem:v14+s11+$0x0], $0xffff;
	v11 =	vor.u32 v43, v11;
	[tilespmem:s3+$0x30] =	vst v7  }
0xd6: {  	v13 =	vadd.s32 v59, v48;
	[tilespmem:s10+$0x40] =	vst v5;
	v7 =	vld.idx.msk [tilespmem:v9+s11+$0x0], $0xffff;
	v9 =	vor.u32 v43, v15  }
0xd7: {  	v13 =	vor.u32 v49, v13;
	v5 =	vld.idx.msk [tilespmem:v6+s11+$0x0], $0xffff  }
0xd8: {  	v13 =	vor.u32 v57, v13;
	v6 =	vor.u32 v57, v8;
	v57 =	vld [tilespmem:$0x1FDE0];
	[tilespmem:s2+$0x30] =	vst v4  }
0xd9: {  	v8 =	vadd.s32 v28, v3;
	[tilespmem:s19+$0x40] =	vst v10;
	v0 =	vld.idx.msk [tilespmem:v0+s11+$0x0], $0xffff  }
0xda: {  	v8 =	vor.u32 v2, v8;
	[tilespmem:s31+$0x40] =	vst v14;
	v10 =	vld.idx.msk [tilespmem:v11+s11+$0x0], $0xffff  }
0xdb: {  	v8 =	vor.u32 v27, v8;
	v14 =	vor.u32 v50, v55;
	v11 =	vadd.s32 v61, v51;
	v9 =	vld.idx.msk [tilespmem:v9+s11+$0x0], $0xffff  }
0xdc: {  	v11 =	vor.u32 v52, v11;
	[tilespmem:s10+$0x50] =	vst v5;
	v5 =	vor.u32 v58, v14;
	v14 =	vld [tilespmem:$0x1FF40]  }
0xdd: {  	v4 =	vadd.s32 v28, v54;
	[tilespmem:s18+$0x50] =	vst v12;
	v11 =	vor.u32 v45, v11  }
0xde: {  	v4 =	vor.u32 v56, v4;
	v12 =	vld.idx.msk [tilespmem:v13+s11+$0x0], $0xffff;
	v13 =	vadd.s32 v57, v48  }
0xdf: {  	v48 =	vmov v51;
	v51 =	vmov v3;
	v3 =	vor.u32 v27, v4;
	[tilespmem:s3+$0x40] =	vst v7;
	v4 =	vld.idx.msk [tilespmem:v6+s11+$0x0], $0xffff  }
0xe0: {  	v20 =	vor.u32 v53, v60;
	v13 =	vor.u32 v49, v13;
	v6 =	vld.idx.msk [tilespmem:v8+s11+$0x0], $0xffff  }
0xe1: {  	v49 =	vmovc v52;
	v52 =	vmov v2;
	v8 =	vor.u32 v45, v20;
	v20 =	vld [tilespmem:$0x1FE20];
	[tilespmem:s19+$0x50] =	vst v10;
	v7 =	vadd.s32 v14, v51  }
0xe2: {  	v2 =	vor.u32 v52, v7;
	v7 =	vld.idx.msk [tilespmem:v11+s11+$0x0], $0xffff  }
0xe3: {  	[tilespmem:s18+$0x60] =	vst v12;
	v12 =	vld [tilespmem:$0x1FE10]  }
0xe4: {  	v13 =	vor.u32 v58, v13  }
0xe5: {  	v50 =	vmov v53  }
0xe6: {  	v53 =	vmovc v56;
	v56 =	vld [tilespmem:$0x1FF00];
	v55 =	vadd.s32 v57, v1;
	v57 =	vadd.s32 v59, v1;
	v10 =	vadd.s32 v20, v48  }
0xe7: {  	v59 =	vadd.s32 v25, v1;
	v25 =	vld [tilespmem:$0x1FF60];
	[tilespmem:s2+$0x40] =	vst v0;
	v2 =	vor.u32 v29, v2;
	v10 =	vor.u32 v49, v10  }
0xe8: {  	v3 =	vld.idx.msk [tilespmem:v3+s11+$0x0], $0xffff;
	v0 =	vor.u32 v12, v10  }
0xe9: {  	[tilespmem:s31+$0x50] =	vst v9;
	v11 =	vld.idx.msk [tilespmem:v13+s11+$0x0], $0xffff  }
0xea: {  	v8 =	vld.idx.msk [tilespmem:v8+s11+$0x0], $0xffff;
	[tilespmem:s10+$0x60] =	vst v4;
	v10 =	vadd.s32 v14, v54  }
0xeb: {  	[tilespmem:s3+$0x50] =	vst v6;
	v9 =	vor.u32 v53, v10;
	v10 =	vadd.s32 v20, v1;
	v20 =	vld [tilespmem:$0x1FF50]  }
0xec: {  	v4 =	vor.u32 v29, v9;
	v6 =	vor.u32 v50, v10;
	v9 =	vld.idx.msk [tilespmem:v2+s11+$0x0], $0xffff;
	[tilespmem:s19+$0x60] =	vst v7  }
0xed: {  	v6 =	vor.u32 v12, v6;
	v12 =	vld.idx.msk [tilespmem:v0+s11+$0x0], $0xffff;
	v0 =	vadd.s32 v56, v48  }
0xee: {  	v10 =	vor.u32 v49, v0;
	v0 =	vadd.s32 v42, v1;
	v42 =	vld [tilespmem:$0x1FE30];
	_ =	sdelay $0x1  }
0xef: {  	v58 =	vadd.s32 v62, v1;
	v62 =	vadd.s32 v24, v1;
	v24 =	vld [tilespmem:$0x1FEF0];
	v2 =	vadd.s32 v25, v51  }
0xf0: {  	v5 =	vld.idx.msk [tilespmem:v5+s11+$0x0], $0xffff;
	v2 =	vor.u32 v52, v2  }
0xf1: {  	[tilespmem:s18+$0x70] =	vst v11;
	v11 =	vor.u32 v20, v2  }
0xf2: {  	p1 =	slt.u32 s9, $0x2E;
	v16 =	vmovc v17;
	v60 =	vadd.s32 v61, v54;
	v15 =	vmovc v29;
	[tilespmem:s2+$0x50] =	vst v3;
	v7 =	vmov s9;
	v13 =	vor.u32 v42, v10  }
.Ltmp0:
0xf3: {  	v61 =	vadd.s32 v63, v54;
	v63 =	vadd.s32 v31, v54;
	v14 =	vshll.u32 v7, $0x7;
	v3 =	vld.idx.msk [tilespmem:v4+s11+$0x0], $0xffff;
	[tilespmem:s31+$0x60] =	vst v8;
	(pc) =	sbr.rel @p1 .LBB2_3-.Ltmp0, $4  }
0xf4: {  	v2 =	vadd.s32 v24, v1;
	v1 =	vadd.s32 v56, v1;
	v4 =	vadd.s32 v25, v54;
	[tilespmem:s3+$0x60] =	vst v9  }
0xf5: {  	v56 =	vand.u32 $0x300, v14;
	v1 =	vor.u32 v50, v1;
	v4 =	vor.u32 v53, v4;
	v6 =	vld.idx.msk [tilespmem:v6+s11+$0x0], $0xffff;
	[tilespmem:s10+$0x70] =	vst v5  }
0xf6: {  	s7 =	smov.u32 s9;
	v5 =	vadd.s32 v34, v51;
	v8 =	vor.u32 v20, v4;
	v10 =	vshrl.u32 v7, $0x3;
	v7 =	vld.idx.msk [tilespmem:v11+s11+$0x0], $0xffff;
	[tilespmem:s19+$0x70] =	vst v12  }
0xf7: {  	s9 =	sadd.s32 $0x2, s9;
	s10 =	sadd.s32 $0x1, s7;
	v9 =	vor.u32 v52, v5;
	v4 =	vor.u32 v42, v1;
	v1 =	vadd.s32 v24, v48;
	v5 =	vld.idx.msk [tilespmem:v13+s11+$0x0], $0xffff  }
0xf8: {  	v11 =	vmov s10  }
0xf9: {  	v12 =	vshrl.u32 v11, $0x3  }
0xfa: {  	v20 =	vmul.u32 $0x1800, v12  }
0xfb: {  	v11 =	vshll.u32 v11, $0x7  }
0xfc: {  	v14 =	vmul.u32 $0x1800, v10;
	v24 =	vand.u32 $0x380, v11;
	v10 =	vadd.s32 v35, v20  }
0xfd: {  	v10 =	vor.u32 v24, v10  }
0xfe: {  	v10 =	vor.u32 v16, v10  }
0xff: {  	v11 =	vadd.s32 v35, v14  }
0x100: {  	v11 =	vor.u32 v56, v11  }
0x101: {  	v11 =	vor.u32 v16, v11  }
0x102: {  	s7 =	sshrl.u32 s7, $0x3;
	v12 =	vadd.s32 v46, v20  }
0x103: {  	s7 =	smul.u32 $0x3000, s7;
	v12 =	vor.u32 v24, v12;
	v10 =	vld.idx.msk [tilespmem:v10+s11+$0x0], $0xffff  }
0x104: {  	v12 =	vor.u32 v19, v12  }
0x105: {  	s0 =	sadd.s32 $0x100, s0;
	v13 =	vadd.s32 v46, v14;
	s9 =	sshra.s32 s7, $0x2  }
0x106: {  	s19 =	sadd.s32 $0xFFFFFF80, s0;
	s10 =	sand.u32 $0x380, s0;
	v13 =	vor.u32 v56, v13;
	s8 =	sadd.s32 $0x12180, s9;
	v11 =	vld.idx.msk [tilespmem:v11+s11+$0x0], $0xffff  }
0x107: {  	s7 =	sand.u32 $0x300, s19;
	v13 =	vor.u32 v19, v13;
	s19 =	sadd.s32 s10, s8  }
0x108: {  	[tilespmem:s19+$0x0] =	vst v10;
	v10 =	vadd.s32 v22, v20  }
0x109: {  	v12 =	vld.idx.msk [tilespmem:v12+s11+$0x0], $0xffff;
	v10 =	vor.u32 v24, v10  }
0x10a: {  	s0 =	sadd.s32 s7, s8;
	v10 =	vor.u32 v21, v10  }
0x10b: {  	[tilespmem:s0+$0x0] =	vst v11;
	v11 =	vadd.s32 v22, v14  }
0x10c: {  	v13 =	vld.idx.msk [tilespmem:v13+s11+$0x0], $0xffff;
	v11 =	vor.u32 v56, v11  }
0x10d: {  	v11 =	vor.u32 v21, v11  }
0x10e: {  	[tilespmem:s19+$0x10] =	vst v12;
	v12 =	vadd.s32 v44, v20  }
0x10f: {  	v10 =	vld.idx.msk [tilespmem:v10+s11+$0x0], $0xffff;
	v12 =	vor.u32 v24, v12  }
0x110: {  	v12 =	vor.u32 v23, v12  }
0x111: {  	[tilespmem:s0+$0x10] =	vst v13;
	v13 =	vadd.s32 v44, v14  }
0x112: {  	v11 =	vld.idx.msk [tilespmem:v11+s11+$0x0], $0xffff;
	v13 =	vor.u32 v56, v13  }
0x113: {  	v13 =	vor.u32 v23, v13  }
0x114: {  	[tilespmem:s19+$0x20] =	vst v10;
	v10 =	vadd.s32 v26, v20  }
0x115: {  	v12 =	vld.idx.msk [tilespmem:v12+s11+$0x0], $0xffff;
	v10 =	vor.u32 v24, v10  }
0x116: {  	v10 =	vor.u32 v40, v10  }
0x117: {  	[tilespmem:s0+$0x20] =	vst v11;
	v11 =	vadd.s32 v26, v14  }
0x118: {  	v13 =	vld.idx.msk [tilespmem:v13+s11+$0x0], $0xffff;
	v11 =	vor.u32 v56, v11  }
0x119: {  	v11 =	vor.u32 v40, v11  }
0x11a: {  	[tilespmem:s19+$0x30] =	vst v12  }
0x11b: {  	v12 =	vadd.s32 v28, v20;
	v10 =	vld.idx.msk [tilespmem:v10+s11+$0x0], $0xffff  }
0x11c: {  	v12 =	vor.u32 v24, v12  }
0x11d: {  	[tilespmem:s0+$0x30] =	vst v13;
	v13 =	vadd.s32 v28, v14;
	v12 =	vor.u32 v27, v12  }
0x11e: {  	v11 =	vld.idx.msk [tilespmem:v11+s11+$0x0], $0xffff;
	v13 =	vor.u32 v56, v13  }
0x11f: {  	v13 =	vor.u32 v27, v13  }
0x120: {  	[tilespmem:s19+$0x40] =	vst v10  }
0x121: {  	v23 =	vld [tilespmem:$0x1FF40]  }
0x122: {  	v12 =	vld.idx.msk [tilespmem:v12+s11+$0x0], $0xffff  }
0x123: {  	[tilespmem:s0+$0x40] =	vst v11  }
0x124: {  	v13 =	vld.idx.msk [tilespmem:v13+s11+$0x0], $0xffff;
	_ =	sdelay $0x2  }
0x125: {  	v10 =	vadd.s32 v23, v20;
	[tilespmem:s19+$0x50] =	vst v12  }
0x126: {  	v11 =	vadd.s32 v23, v14;
	v10 =	vor.u32 v24, v10;
	v22 =	vld [tilespmem:$0x1FF60]  }
0x127: {  	v11 =	vor.u32 v56, v11;
	[tilespmem:s0+$0x50] =	vst v13;
	v10 =	vor.u32 v15, v10  }
0x128: {  	v11 =	vor.u32 v15, v11;
	v21 =	vld [tilespmem:$0x1FF50]  }
0x129: {  	v9 =	vor.u32 v33, v9;
	[tilespmem:s2+$0x60] =	vst v3  }
0x12a: {  	v3 =	vadd.s32 v34, v54;
	[tilespmem:s3+$0x70] =	vst v7;
	v8 =	vld.idx.msk [tilespmem:v8+s11+$0x0], $0xffff  }
0x12b: {  	v3 =	vor.u32 v53, v3;
	v26 =	vld [tilespmem:$0x1FED0];
	v12 =	vadd.s32 v22, v20  }
0x12c: {  	v3 =	vor.u32 v33, v3;
	v13 =	vadd.s32 v22, v14;
	v10 =	vld.idx.msk [tilespmem:v10+s11+$0x0], $0xffff;
	v12 =	vor.u32 v24, v12  }
0x12d: {  	v11 =	vld.idx.msk [tilespmem:v11+s11+$0x0], $0xffff;
	v13 =	vor.u32 v56, v13;
	v12 =	vor.u32 v21, v12  }
0x12e: {  	v7 =	vadd.s32 v36, v51;
	v9 =	vld.idx.msk [tilespmem:v9+s11+$0x0], $0xffff;
	v13 =	vor.u32 v21, v13  }
0x12f: {  	v7 =	vor.u32 v52, v7  }
0x130: {  	v7 =	vor.u32 v26, v7;
	[tilespmem:s2+$0x70] =	vst v8  }
0x131: {  	s8 =	sadd.s32 $0x12580, s29;
	v3 =	vld.idx.msk [tilespmem:v3+s11+$0x0], $0xffff;
	[tilespmem:s19+$0x60] =	vst v10  }
0x132: {  	s18 =	sadd.s32 s30, s8;
	[tilespmem:s0+$0x60] =	vst v11;
	v12 =	vld.idx.msk [tilespmem:v12+s11+$0x0], $0xffff  }
0x133: {  	[tilespmem:s18+$0x0] =	vst v9;
	v13 =	vld.idx.msk [tilespmem:v13+s11+$0x0], $0xffff  }
0x134: {  	v31 =	vld [tilespmem:$0x1FE90]  }
0x135: {  	v7 =	vld.idx.msk [tilespmem:v7+s11+$0x0], $0xffff  }
0x136: {  	s3 =	sadd.s32 s28, s8;
	v10 =	vadd.s32 v34, v20;
	[tilespmem:s31+$0x70] =	vst v6  }
0x137: {  	v8 =	vadd.s32 v36, v54;
	v10 =	vor.u32 v24, v10;
	[tilespmem:s3+$0x0] =	vst v3  }
0x138: {  	v8 =	vor.u32 v53, v8;
	v11 =	vadd.s32 v34, v14;
	v10 =	vor.u32 v33, v10;
	[tilespmem:s19+$0x70] =	vst v12  }
0x139: {  	v8 =	vor.u32 v26, v8;
	v11 =	vor.u32 v56, v11;
	v9 =	vadd.s32 v31, v51;
	[tilespmem:s0+$0x70] =	vst v13  }
0x13a: {  	v11 =	vor.u32 v33, v11;
	[tilespmem:s18+$0x10] =	vst v7;
	v9 =	vor.u32 v52, v9  }
0x13b: {  	v40 =	vld [tilespmem:$0x1FEA0];
	v9 =	vor.u32 v32, v9  }
0x13c: {  	v12 =	vadd.s32 v36, v20  }
0x13d: {  	v3 =	vadd.s32 v31, v54;
	v10 =	vld.idx.msk [tilespmem:v10+s11+$0x0], $0xffff;
	v12 =	vor.u32 v24, v12  }
0x13e: {  	v8 =	vld.idx.msk [tilespmem:v8+s11+$0x0], $0xffff;
	v13 =	vadd.s32 v36, v14;
	s19 =	sadd.s32 $0x12980, s26;
	v3 =	vor.u32 v53, v3;
	v6 =	vor.u32 v26, v12  }
0x13f: {  	v11 =	vld.idx.msk [tilespmem:v11+s11+$0x0], $0xffff;
	s0 =	sadd.s32 s25, s19;
	v12 =	vor.u32 v56, v13;
	v3 =	vor.u32 v32, v3  }
0x140: {  	s26 =	sadd.s32 $0x12580, s9;
	[tilespmem:s0+$0x0] =	vst v5;
	v12 =	vor.u32 v26, v12;
	v7 =	vadd.s32 v40, v51;
	v5 =	vld.idx.msk [tilespmem:v9+s11+$0x0], $0xffff  }
0x141: {  	s31 =	sadd.s32 s10, s26;
	v7 =	vor.u32 v52, v7  }
0x142: {  	v4 =	vld.idx.msk [tilespmem:v4+s11+$0x0], $0xffff;
	[tilespmem:s31+$0x0] =	vst v10;
	v7 =	vor.u32 v30, v7  }
0x143: {  	s8 =	sadd.s32 s7, s26;
	[tilespmem:s3+$0x10] =	vst v8;
	v6 =	vld.idx.msk [tilespmem:v6+s11+$0x0], $0xffff  }
0x144: {  	[tilespmem:s8+$0x0] =	vst v11;
	v3 =	vld.idx.msk [tilespmem:v3+s11+$0x0], $0xffff  }
0x145: {  	v12 =	vld.idx.msk [tilespmem:v12+s11+$0x0], $0xffff;
	[tilespmem:s18+$0x20] =	vst v5  }
0x146: {  	v42 =	vld [tilespmem:$0x1FEB0]  }
0x147: {  	s2 =	sadd.s32 s24, s19;
	v9 =	vadd.s32 v31, v20;
	v7 =	vld.idx.msk [tilespmem:v7+s11+$0x0], $0xffff  }
0x148: {  	v10 =	vadd.s32 v31, v14;
	v9 =	vor.u32 v24, v9;
	[tilespmem:s2+$0x0] =	vst v4  }
0x149: {  	v10 =	vor.u32 v56, v10;
	v9 =	vor.u32 v32, v9;
	[tilespmem:s31+$0x10] =	vst v6  }
0x14a: {  	v1 =	vor.u32 v49, v1;
	v11 =	vadd.s32 v40, v54;
	v8 =	vor.u32 v32, v10;
	[tilespmem:s8+$0x10] =	vst v12  }
0x14b: {  	v1 =	vor.u32 v18, v1;
	v10 =	vor.u32 v53, v11;
	v34 =	vld [tilespmem:$0x1FEE0];
	[tilespmem:s3+$0x20] =	vst v3;
	v5 =	vadd.s32 v42, v51  }
0x14c: {  	v4 =	vor.u32 v30, v10;
	[tilespmem:s18+$0x30] =	vst v7;
	v5 =	vor.u32 v52, v5  }
0x14d: {  	v2 =	vor.u32 v50, v2;
	v35 =	vmov v27;
	v27 =	vld [tilespmem:$0x1FEC0];
	v5 =	vor.u32 v41, v5  }
0x14e: {  	v2 =	vor.u32 v18, v2;
	v6 =	vadd.s32 v40, v20;
	v9 =	vld.idx.msk [tilespmem:v9+s11+$0x0], $0xffff  }
0x14f: {  	v10 =	vadd.s32 v40, v14;
	v6 =	vor.u32 v24, v6;
	v8 =	vld.idx.msk [tilespmem:v8+s11+$0x0], $0xffff  }
0x150: {  	v1 =	vld.idx.msk [tilespmem:v1+s11+$0x0], $0xffff;
	v10 =	vor.u32 v56, v10;
	v6 =	vor.u32 v30, v6;
	v11 =	vadd.s32 v34, v48  }
0x151: {  	v10 =	vor.u32 v30, v10;
	v4 =	vld.idx.msk [tilespmem:v4+s11+$0x0], $0xffff;
	v3 =	vor.u32 v49, v11;
	v11 =	vor.u32 v53, v63  }
0x152: {  	v11 =	vor.u32 v41, v11;
	v7 =	vadd.s32 v27, v51;
	v5 =	vld.idx.msk [tilespmem:v5+s11+$0x0], $0xffff  }
0x153: {  	v2 =	vld.idx.msk [tilespmem:v2+s11+$0x0], $0xffff;
	[tilespmem:s31+$0x20] =	vst v9;
	v7 =	vor.u32 v52, v7  }
0x154: {  	v9 =	vadd.s32 v42, v20;
	[tilespmem:s8+$0x20] =	vst v8;
	v8 =	vadd.s32 v42, v14;
	v7 =	vor.u32 v43, v7  }
0x155: {  	[tilespmem:s0+$0x10] =	vst v1;
	v6 =	vld.idx.msk [tilespmem:v6+s11+$0x0], $0xffff;
	v9 =	vor.u32 v24, v9;
	v8 =	vor.u32 v56, v8  }
0x156: {  	v3 =	vor.u32 v47, v3;
	v63 =	vor.u32 v41, v9;
	v9 =	vld.idx.msk [tilespmem:v10+s11+$0x0], $0xffff;
	[tilespmem:s3+$0x30] =	vst v4  }
0x157: {  	v4 =	vor.u32 v41, v8;
	v8 =	vld.idx.msk [tilespmem:v11+s11+$0x0], $0xffff;
	[tilespmem:s18+$0x40] =	vst v5  }
0x158: {  	v25 =	vld [tilespmem:$0x1FF30]  }
0x159: {  	v7 =	vld.idx.msk [tilespmem:v7+s11+$0x0], $0xffff  }
0x15a: {  	[tilespmem:s2+$0x10] =	vst v2  }
0x15b: {  	v3 =	vld.idx.msk [tilespmem:v3+s11+$0x0], $0xffff;
	[tilespmem:s31+$0x30] =	vst v6  }
0x15c: {  	[tilespmem:s8+$0x30] =	vst v9  }
0x15d: {  	v10 =	vor.u32 v53, v61;
	[tilespmem:s3+$0x40] =	vst v8;
	v5 =	vadd.s32 v25, v51  }
0x15e: {  	v33 =	vor.u32 v43, v10;
	[tilespmem:s18+$0x50] =	vst v7;
	v5 =	vor.u32 v52, v5  }
0x15f: {  	v46 =	vld [tilespmem:$0x1FE20];
	v5 =	vor.u32 v45, v5  }
0x160: {  	v6 =	vadd.s32 v27, v20;
	v1 =	vld.idx.msk [tilespmem:v63+s11+$0x0], $0xffff;
	[tilespmem:s0+$0x20] =	vst v3  }
0x161: {  	v44 =	vmovc v28;
	v28 =	vmov v20;
	v9 =	vadd.s32 v27, v14;
	v6 =	vor.u32 v24, v6;
	v20 =	vld [tilespmem:$0x1FE10]  }
0x162: {  	v4 =	vld.idx.msk [tilespmem:v4+s11+$0x0], $0xffff;
	v9 =	vor.u32 v56, v9;
	v6 =	vor.u32 v43, v6  }
0x163: {  	v2 =	vld.idx.msk [tilespmem:v33+s11+$0x0], $0xffff;
	v8 =	vor.u32 v43, v9;
	v9 =	vor.u32 v53, v60  }
0x164: {  	v3 =	vor.u32 v45, v9;
	v7 =	vadd.s32 v46, v51;
	v5 =	vld.idx.msk [tilespmem:v5+s11+$0x0], $0xffff  }
0x165: {  	v7 =	vor.u32 v52, v7  }
0x166: {  	v0 =	vor.u32 v50, v0;
	v36 =	vadd.s32 v25, v28;
	v63 =	vld [tilespmem:$0x1FF20];
	[tilespmem:s31+$0x40] =	vst v1;
	v7 =	vor.u32 v20, v7  }
0x167: {  	v0 =	vor.u32 v47, v0;
	[tilespmem:s8+$0x40] =	vst v4;
	v1 =	vor.u32 v24, v36;
	v6 =	vld.idx.msk [tilespmem:v6+s11+$0x0], $0xffff  }
0x168: {  	v4 =	vadd.s32 v25, v14;
	[tilespmem:s3+$0x50] =	vst v2;
	v1 =	vor.u32 v45, v1;
	v8 =	vld.idx.msk [tilespmem:v8+s11+$0x0], $0xffff  }
0x169: {  	v4 =	vor.u32 v56, v4;
	v60 =	vadd.s32 v46, v54;
	v3 =	vld.idx.msk [tilespmem:v3+s11+$0x0], $0xffff;
	[tilespmem:s18+$0x60] =	vst v5  }
0x16a: {  	v4 =	vor.u32 v45, v4;
	v2 =	vor.u32 v53, v60;
	v60 =	vld [tilespmem:$0x1FF00]  }
0x16b: {  	v9 =	vadd.s32 v63, v48;
	v7 =	vld.idx.msk [tilespmem:v7+s11+$0x0], $0xffff  }
0x16c: {  	v0 =	vld.idx.msk [tilespmem:v0+s11+$0x0], $0xffff;
	v9 =	vor.u32 v49, v9  }
0x16d: {  	v9 =	vor.u32 v37, v9;
	v33 =	vld [tilespmem:$0x1FE30];
	[tilespmem:s31+$0x50] =	vst v6  }
0x16e: {  	v2 =	vor.u32 v20, v2;
	v6 =	vadd.s32 v46, v28;
	[tilespmem:s8+$0x50] =	vst v8;
	v1 =	vld.idx.msk [tilespmem:v1+s11+$0x0], $0xffff  }
0x16f: {  	v8 =	vadd.s32 v46, v14;
	[tilespmem:s3+$0x60] =	vst v3;
	v6 =	vor.u32 v24, v6;
	v4 =	vld.idx.msk [tilespmem:v4+s11+$0x0], $0xffff  }
0x170: {  	v8 =	vor.u32 v56, v8;
	v6 =	vor.u32 v20, v6;
	v5 =	vadd.s32 v60, v51;
	[tilespmem:s18+$0x70] =	vst v7  }
0x171: {  	v10 =	vor.u32 v50, v62;
	v8 =	vor.u32 v20, v8;
	v5 =	vor.u32 v52, v5;
	v62 =	vld [tilespmem:$0x1FEF0]  }
0x172: {  	v9 =	vld.idx.msk [tilespmem:v9+s11+$0x0], $0xffff;
	v3 =	vadd.s32 v60, v54;
	v5 =	vor.u32 v33, v5  }
0x173: {  	v2 =	vld.idx.msk [tilespmem:v2+s11+$0x0], $0xffff;
	v3 =	vor.u32 v53, v3;
	[tilespmem:s2+$0x20] =	vst v0  }
0x174: {  	v10 =	vor.u32 v37, v10;
	v61 =	vadd.s32 v60, v28;
	v0 =	vor.u32 v33, v3;
	v19 =	vld [tilespmem:$0x1FF10];
	[tilespmem:s31+$0x60] =	vst v1  }
0x175: {  	v1 =	vor.u32 v24, v61;
	[tilespmem:s8+$0x60] =	vst v4;
	v4 =	vadd.s32 v60, v14;
	v6 =	vld.idx.msk [tilespmem:v6+s11+$0x0], $0xffff  }
0x176: {  	v1 =	vor.u32 v33, v1;
	v8 =	vld.idx.msk [tilespmem:v8+s11+$0x0], $0xffff;
	v4 =	vor.u32 v56, v4;
	v7 =	vadd.s32 v62, v51  }
0x177: {  	v4 =	vor.u32 v33, v4;
	v3 =	vld.idx.msk [tilespmem:v5+s11+$0x0], $0xffff;
	v5 =	vor.u32 v52, v7  }
0x178: {  	[tilespmem:s3+$0x70] =	vst v2;
	v5 =	vor.u32 v18, v5  }
0x179: {  	[tilespmem:s0+$0x30] =	vst v9;
	v9 =	vld.idx.msk [tilespmem:v10+s11+$0x0], $0xffff  }
0x17a: {  	s24 =	sadd.s32 $0x12980, s29;
	v36 =	vadd.s32 v62, v54;
	v0 =	vld.idx.msk [tilespmem:v0+s11+$0x0], $0xffff;
	[tilespmem:s31+$0x70] =	vst v6  }
0x17b: {  	s26 =	sadd.s32 s30, s24;
	v7 =	vadd.s32 v19, v48;
	v2 =	vor.u32 v53, v36;
	[tilespmem:s8+$0x70] =	vst v8;
	v1 =	vld.idx.msk [tilespmem:v1+s11+$0x0], $0xffff  }
0x17c: {  	v7 =	vor.u32 v49, v7;
	v2 =	vor.u32 v18, v2;
	v4 =	vld.idx.msk [tilespmem:v4+s11+$0x0], $0xffff;
	[tilespmem:s26+$0x0] =	vst v3  }
0x17d: {  	v10 =	vor.u32 v50, v59;
	v7 =	vor.u32 v39, v7;
	v5 =	vld.idx.msk [tilespmem:v5+s11+$0x0], $0xffff  }
0x17e: {  	s29 =	sadd.s32 s28, s24;
	s30 =	sadd.s32 $0x12980, s9;
	v10 =	vor.u32 v39, v10;
	[tilespmem:s2+$0x30] =	vst v9;
	v6 =	vadd.s32 v62, v28;
	v3 =	vadd.s32 v34, v51  }
0x17f: {  	s9 =	sadd.s32 s10, s30;
	v8 =	vadd.s32 v62, v14;
	v6 =	vor.u32 v24, v6;
	[tilespmem:s29+$0x0] =	vst v0;
	v3 =	vor.u32 v52, v3  }
0x180: {  	s7 =	sadd.s32 s7, s30;
	v8 =	vor.u32 v56, v8;
	v6 =	vor.u32 v18, v6;
	v3 =	vor.u32 v47, v3;
	[tilespmem:s9+$0x0] =	vst v1  }
0x181: {  	v59 =	vor.u32 v18, v8;
	v8 =	vadd.s32 v34, v54;
	v2 =	vld.idx.msk [tilespmem:v2+s11+$0x0], $0xffff;
	[tilespmem:s7+$0x0] =	vst v4  }
0x182: {  	v8 =	vor.u32 v53, v8;
	v7 =	vld.idx.msk [tilespmem:v7+s11+$0x0], $0xffff;
	[tilespmem:s26+$0x10] =	vst v5  }
0x183: {  	v8 =	vor.u32 v47, v8;
	v61 =	vld [tilespmem:$0x1FE00]  }
0x184: {  	v10 =	vld.idx.msk [tilespmem:v10+s11+$0x0], $0xffff;
	v5 =	vadd.s32 v63, v51  }
0x185: {  	v36 =	vadd.s32 v34, v28;
	v9 =	vadd.s32 v34, v14;
	v3 =	vld.idx.msk [tilespmem:v3+s11+$0x0], $0xffff;
	v5 =	vor.u32 v52, v5  }
0x186: {  	v9 =	vor.u32 v56, v9;
	v1 =	vor.u32 v24, v36;
	v6 =	vld.idx.msk [tilespmem:v6+s11+$0x0], $0xffff;
	v5 =	vor.u32 v37, v5  }
0x187: {  	v9 =	vor.u32 v47, v9;
	v1 =	vor.u32 v47, v1;
	v0 =	vld.idx.msk [tilespmem:v59+s11+$0x0], $0xffff;
	[tilespmem:s29+$0x10] =	vst v2  }
0x188: {  	v59 =	vadd.s32 v63, v54;
	[tilespmem:s0+$0x40] =	vst v7;
	v8 =	vld.idx.msk [tilespmem:v8+s11+$0x0], $0xffff;
	v4 =	vadd.s32 v61, v48  }
0x189: {  	v36 =	vadd.s32 v63, v14;
	v2 =	vor.u32 v53, v59;
	[tilespmem:s2+$0x40] =	vst v10;
	v4 =	vor.u32 v49, v4  }
0x18a: {  	v2 =	vor.u32 v37, v2;
	[tilespmem:s26+$0x20] =	vst v3;
	v3 =	vadd.s32 v19, v51;
	v4 =	vor.u32 v38, v4  }
0x18b: {  	[tilespmem:s9+$0x10] =	vst v6;
	v6 =	vadd.s32 v63, v28;
	v3 =	vor.u32 v52, v3;
	v5 =	vld.idx.msk [tilespmem:v5+s11+$0x0], $0xffff  }
0x18c: {  	[tilespmem:s7+$0x10] =	vst v0;
	v1 =	vld.idx.msk [tilespmem:v1+s11+$0x0], $0xffff;
	v6 =	vor.u32 v24, v6;
	v3 =	vor.u32 v39, v3  }
0x18d: {  	v0 =	vor.u32 v56, v36;
	v7 =	vld.idx.msk [tilespmem:v9+s11+$0x0], $0xffff;
	v6 =	vor.u32 v37, v6;
	[tilespmem:s29+$0x20] =	vst v8  }
0x18e: {  	v0 =	vor.u32 v37, v0;
	v59 =	vld [tilespmem:$0x1FDF0]  }
0x18f: {  	v4 =	vld.idx.msk [tilespmem:v4+s11+$0x0], $0xffff  }
0x190: {  	v2 =	vld.idx.msk [tilespmem:v2+s11+$0x0], $0xffff;
	[tilespmem:s26+$0x30] =	vst v5  }
0x191: {  	v10 =	vadd.s32 v19, v54;
	v9 =	vor.u32 v50, v58;
	[tilespmem:s9+$0x20] =	vst v1;
	v3 =	vld.idx.msk [tilespmem:v3+s11+$0x0], $0xffff  }
0x192: {  	v10 =	vor.u32 v53, v10;
	v9 =	vor.u32 v38, v9;
	[tilespmem:s7+$0x20] =	vst v7;
	v6 =	vld.idx.msk [tilespmem:v6+s11+$0x0], $0xffff  }
0x193: {  	v47 =	vadd.s32 v19, v28;
	v0 =	vld.idx.msk [tilespmem:v0+s11+$0x0], $0xffff;
	v5 =	vor.u32 v39, v10  }
0x194: {  	v1 =	vor.u32 v24, v47;
	v7 =	vadd.s32 v61, v51;
	v10 =	vadd.s32 v19, v14;
	[tilespmem:s0+$0x50] =	vst v4  }
0x195: {  	v1 =	vor.u32 v39, v1;
	v8 =	vadd.s32 v59, v48;
	v10 =	vor.u32 v56, v10;
	v58 =	vld [tilespmem:$0x1FDE0];
	[tilespmem:s29+$0x30] =	vst v2  }
0x196: {  	v7 =	vor.u32 v52, v7;
	v4 =	vor.u32 v49, v8;
	v8 =	vor.u32 v39, v10;
	[tilespmem:s26+$0x40] =	vst v3  }
0x197: {  	v7 =	vor.u32 v38, v7;
	v3 =	vld.idx.msk [tilespmem:v9+s11+$0x0], $0xffff;
	[tilespmem:s9+$0x30] =	vst v6  }
0x198: {  	[tilespmem:s7+$0x30] =	vst v0;
	v5 =	vld.idx.msk [tilespmem:v5+s11+$0x0], $0xffff  }
0x199: {  	v12 =	vadd.s32 v59, v51;
	v13 =	vld [tilespmem:$0x1FD60]  }
0x19a: {  	v11 =	vor.u32 v50, v55;
	v12 =	vor.u32 v52, v12;
	v6 =	vadd.s32 v61, v28;
	v1 =	vld.idx.msk [tilespmem:v1+s11+$0x0], $0xffff  }
0x19b: {  	v9 =	vor.u32 v50, v57;
	v50 =	vadd.s32 v59, v28;
	v6 =	vor.u32 v24, v6;
	v8 =	vld.idx.msk [tilespmem:v8+s11+$0x0], $0xffff  }
0x19c: {  	v7 =	vld.idx.msk [tilespmem:v7+s11+$0x0], $0xffff;
	v6 =	vor.u32 v38, v6;
	v10 =	vadd.s32 v58, v48;
	v48 =	vadd.s32 v61, v54  }
0x19d: {  	[tilespmem:s2+$0x50] =	vst v3;
	v3 =	vadd.s32 v59, v54;
	v10 =	vor.u32 v49, v10;
	v2 =	vor.u32 v53, v48  }
0x19e: {  	v49 =	vadd.s32 v61, v14;
	v4 =	vor.u32 v13, v4;
	[tilespmem:s29+$0x40] =	vst v5;
	v2 =	vor.u32 v38, v2  }
0x19f: {  	v5 =	vor.u32 v13, v9;
	v3 =	vor.u32 v53, v3;
	[tilespmem:s9+$0x40] =	vst v1;
	v0 =	vor.u32 v56, v49  }
0x1a0: {  	v9 =	vor.u32 v13, v12;
	v0 =	vor.u32 v38, v0;
	[tilespmem:s7+$0x40] =	vst v8;
	v8 =	vadd.s32 v59, v14  }
0x1a1: {  	v1 =	vor.u32 v24, v50;
	[tilespmem:s26+$0x50] =	vst v7;
	v6 =	vld.idx.msk [tilespmem:v6+s11+$0x0], $0xffff;
	v7 =	vor.u32 v56, v8  }
0x1a2: {  	v3 =	vor.u32 v13, v3;
	v1 =	vor.u32 v13, v1;
	v7 =	vor.u32 v13, v7;
	v13 =	vld [tilespmem:$0x1FD70]  }
0x1a3: {  	v2 =	vld.idx.msk [tilespmem:v2+s11+$0x0], $0xffff  }
0x1a4: {  	v4 =	vld.idx.msk [tilespmem:v4+s11+$0x0], $0xffff  }
0x1a5: {  	v12 =	vadd.s32 v58, v51;
	v0 =	vld.idx.msk [tilespmem:v0+s11+$0x0], $0xffff  }
0x1a6: {  	v12 =	vor.u32 v52, v12;
	v8 =	vadd.s32 v58, v54;
	v5 =	vld.idx.msk [tilespmem:v5+s11+$0x0], $0xffff  }
0x1a7: {  	v8 =	vor.u32 v53, v8;
	v9 =	vld.idx.msk [tilespmem:v9+s11+$0x0], $0xffff;
	[tilespmem:s9+$0x50] =	vst v6;
	v10 =	vor.u32 v13, v10  }
0x1a8: {  	v1 =	vld.idx.msk [tilespmem:v1+s11+$0x0], $0xffff;
	v55 =	vor.u32 v13, v11;
	v11 =	vadd.s32 v58, v28;
	[tilespmem:s29+$0x50] =	vst v2  }
0x1a9: {  	[tilespmem:s0+$0x60] =	vst v4;
	v6 =	vor.u32 v24, v11;
	v11 =	vor.u32 v13, v12;
	v3 =	vld.idx.msk [tilespmem:v3+s11+$0x0], $0xffff  }
0x1aa: {  	v57 =	vor.u32 v13, v8;
	v8 =	vadd.s32 v58, v14;
	[tilespmem:s7+$0x50] =	vst v0;
	v6 =	vor.u32 v13, v6  }
0x1ab: {  	[tilespmem:s2+$0x60] =	vst v5;
	v4 =	vor.u32 v56, v8;
	v7 =	vld.idx.msk [tilespmem:v7+s11+$0x0], $0xffff  }
0x1ac: {  	[tilespmem:s26+$0x60] =	vst v9;
	v4 =	vor.u32 v13, v4;
	v5 =	vld.idx.msk [tilespmem:v10+s11+$0x0], $0xffff  }
0x1ad: {  	[tilespmem:s9+$0x60] =	vst v1;
	v2 =	vld.idx.msk [tilespmem:v55+s11+$0x0], $0xffff  }
0x1ae: {  	[tilespmem:s29+$0x60] =	vst v3;
	v3 =	vld.idx.msk [tilespmem:v11+s11+$0x0], $0xffff  }
0x1af: {  	v1 =	vld.idx.msk [tilespmem:v6+s11+$0x0], $0xffff  }
0x1b0: {  	v0 =	vld.idx.msk [tilespmem:v57+s11+$0x0], $0xffff;
	[tilespmem:s7+$0x60] =	vst v7  }
0x1b1: {  	v4 =	vld.idx.msk [tilespmem:v4+s11+$0x0], $0xffff;
	[tilespmem:s0+$0x70] =	vst v5  }
0x1b2: {  	[tilespmem:s2+$0x70] =	vst v2  }
0x1b3: {  	[tilespmem:s26+$0x70] =	vst v3  }
0x1b4: {  	[tilespmem:s9+$0x70] =	vst v1  }
0x1b5: {  	[tilespmem:s29+$0x70] =	vst v0  }
0x1b6: {  	[tilespmem:s7+$0x70] =	vst v4  }
0x1b7: {  	v14 =	vld [tilespmem:$0x1FF90]  }
0x1b8: {  	v36 =	vld [tilespmem:$0x1FF80]  }
0x1b9: {  	v47 =	vld [tilespmem:$0x1FF70]  }
0x1ba: {  	p1 =	sne.s32 s20, $0xB;
	v5 =	vld [tilespmem:$0x1FFB0]  }
.Ltmp1:
0x1bb: {  	v39 =	vld [tilespmem:$0x1FFA0];
	(pc) =	sbr.rel @p1 .LBB2_6-.Ltmp1, $4  }
0x1bc: {  	s31 =	smul.u32 $0x900, s23;
	v38 =	vld [tilespmem:$0x1FFD0]  }
0x1bd: {  	v18 =	vmovc v33;
	v9 =	vmovc v22;
	v22 =	vmov v60;
	v60 =	vmov v34;
	v24 =	vmov v26;
	v28 =	vld [tilespmem:$0x1FFC0]  }
0x1be: {  	v56 =	vmovc v25;
	v25 =	vmovc v62;
	v62 =	vmov v63;
	v12 =	vmov v59;
	v13 =	vmov v31;
	s0 =	sadd.s32 s4, s31;
	v37 =	vld [tilespmem:$0x1FFF0]  }
0x1bf: {  	v8 =	vmovc v21;
	v10 =	vmovc v30;
	v11 =	vmov v61;
	v7 =	vmov v23;
	v23 =	vmov v58;
	[hbm4b:s0+s5] =	stream.linear.scatter [tilespmem:s14], [sflag:$0x3], $0x4800, $0x38;
	v6 =	vld [tilespmem:$0x1FFE0]  }
.Ltmp2:
0x1c0: {  	(pc) =	sbr.rel .LBB2_7-.Ltmp2, $4  }
0x1c1: {  	_ = 	snop  }
0x1c2: {  	_ =	swait.ge [sflag:s15], $0x9000  }
0x1c3: {  	[sflag:s15] =	ssyncset.done $0x0  }
0x1c4: {  	[sflag:s15] =	ssyncadd.s32 $0xFFFF7000  }
.LBB2_6:
0x1c5: {  	s0 =	rddreg [dreg:$0x5]  }
0x1c6: {  	s0 =	sadd.s32 s22, s0  }
0x1c7: {  	s0 =	smul.u32 $0x1200, s0;
	_ =	sdelay $0x1  }
.Ltmp3:
0x1c8: {  	s0 =	sadd.s32 s1, s0;
	(pc) =	sbr.rel @p0 .LBB2_8-.Ltmp3, $4  }
0x1c9: {  	[tilespmem:s11], [sflag:$0x1] =	stream.linear.gather [hbm4b:s0+s5], $0x9000, $0x38;
	[tilespmem:$0x1B180] =	vst v63  }
0x1ca: {  	_ =	swait.ge [sflag:s15], $0x9000  }
0x1cb: {  	[sflag:s15] =	ssyncset.done $0x0  }
0x1cc: {  	[sflag:s15] =	ssyncadd.s32 $0xFFFF7000  }
.LBB2_7:
0x1cd: {  	_ =	swait.ge [sflag:s16], $0x4800  }
0x1ce: {  	[sflag:s16] =	ssyncset.done $0x0  }
0x1cf: {  	[sflag:s16] =	ssyncadd.s32 $0xFFFFB800  }
.LBB2_8:
0x1d0: {  	s0 =	simm.s32 $0x1  }
0x1d1: {  	v0 =	vmov s0  }
0x1d2: {  	v1 =	vshrl.u32 v0, $0x3  }
0x1d3: {  	v48 =	vmul.u32 $0x1800, v1  }
0x1d4: {  	v0 =	vshll.u32 v0, $0x7  }
0x1d5: {  	s23 =	simm.s32 $0x0;
	v50 =	vand.u32 $0x380, v0;
	v3 =	vadd.s32 v14, v48  }
0x1d6: {  	v2 =	vmov s23;
	v0 =	vor.u32 v50, v3  }
0x1d7: {  	v1 =	vshrl.u32 v2, $0x3;
	v0 =	vor.u32 v16, v0  }
0x1d8: {  	v1 =	vmul.u32 $0x1800, v1  }
0x1d9: {  	v2 =	vshll.u32 v2, $0x7  }
0x1da: {  	v49 =	vand.u32 $0x300, v2;
	v2 =	vadd.s32 v14, v1  }
0x1db: {  	s24 =	simm.s32 $0x0;
	v3 =	vadd.s32 v47, v48;
	v2 =	vor.u32 v49, v2  }
0x1dc: {  	s0 =	smul.u32 $0x3000, s24;
	v3 =	vor.u32 v50, v3;
	v2 =	vor.u32 v16, v2;
	v0 =	vld.idx.msk [tilespmem:v0+s12+$0x0], $0xffff  }
0x1dd: {  	v3 =	vor.u32 v36, v3  }
0x1de: {  	s2 =	simm.s32 $0x80;
	s24 =	sshra.s32 s0, $0x2  }
0x1df: {  	s23 =	sand.u32 $0x380, s2;
	s0 =	sadd.s32 $0x16980, s24  }
0x1e0: {  	s2 =	sadd.s32 s23, s0;
	v4 =	vadd.s32 v47, v1  }
0x1e1: {  	v4 =	vor.u32 v49, v4;
	v2 =	vld.idx.msk [tilespmem:v2+s12+$0x0], $0xffff;
	[tilespmem:s2+$0x0] =	vst v0;
	v0 =	vadd.s32 v39, v48  }
0x1e2: {  	v4 =	vor.u32 v36, v4;
	v3 =	vld.idx.msk [tilespmem:v3+s12+$0x0], $0xffff;
	v0 =	vor.u32 v50, v0  }
0x1e3: {  	s3 =	simm.s32 $0x0;
	v0 =	vor.u32 v5, v0  }
0x1e4: {  	s22 =	sand.u32 $0x300, s3  }
0x1e5: {  	s0 =	sadd.s32 s22, s0  }
0x1e6: {  	[tilespmem:s0+$0x0] =	vst v2;
	v2 =	vadd.s32 v39, v1  }
0x1e7: {  	v4 =	vld.idx.msk [tilespmem:v4+s12+$0x0], $0xffff;
	v2 =	vor.u32 v49, v2;
	[tilespmem:s2+$0x10] =	vst v3;
	v3 =	vadd.s32 v28, v48  }
0x1e8: {  	v2 =	vor.u32 v5, v2;
	v0 =	vld.idx.msk [tilespmem:v0+s12+$0x0], $0xffff;
	v3 =	vor.u32 v50, v3  }
0x1e9: {  	v3 =	vor.u32 v38, v3;
	_ =	sdelay $0x2  }
0x1ea: {  	[tilespmem:s0+$0x10] =	vst v4;
	v4 =	vadd.s32 v28, v1  }
0x1eb: {  	v2 =	vld.idx.msk [tilespmem:v2+s12+$0x0], $0xffff;
	v4 =	vor.u32 v49, v4;
	[tilespmem:s2+$0x20] =	vst v0;
	v0 =	vadd.s32 v6, v48  }
0x1ec: {  	v4 =	vor.u32 v38, v4;
	v3 =	vld.idx.msk [tilespmem:v3+s12+$0x0], $0xffff;
	v0 =	vor.u32 v50, v0  }
0x1ed: {  	v0 =	vor.u32 v37, v0;
	_ =	sdelay $0x2  }
0x1ee: {  	[tilespmem:s0+$0x20] =	vst v2;
	v2 =	vadd.s32 v6, v1  }
0x1ef: {  	v4 =	vld.idx.msk [tilespmem:v4+s12+$0x0], $0xffff;
	v2 =	vor.u32 v49, v2;
	[tilespmem:s2+$0x30] =	vst v3;
	v3 =	vadd.s32 v44, v48  }
0x1f0: {  	v2 =	vor.u32 v37, v2;
	v0 =	vld.idx.msk [tilespmem:v0+s12+$0x0], $0xffff;
	v3 =	vor.u32 v50, v3  }
0x1f1: {  	v3 =	vor.u32 v35, v3;
	_ =	sdelay $0x2  }
0x1f2: {  	[tilespmem:s0+$0x30] =	vst v4;
	v4 =	vadd.s32 v44, v1  }
0x1f3: {  	v2 =	vld.idx.msk [tilespmem:v2+s12+$0x0], $0xffff;
	v4 =	vor.u32 v49, v4;
	[tilespmem:s2+$0x40] =	vst v0;
	v0 =	vadd.s32 v7, v48  }
0x1f4: {  	v4 =	vor.u32 v35, v4;
	v3 =	vld.idx.msk [tilespmem:v3+s12+$0x0], $0xffff;
	v0 =	vor.u32 v50, v0  }
0x1f5: {  	v0 =	vor.u32 v15, v0;
	_ =	sdelay $0x2  }
0x1f6: {  	[tilespmem:s0+$0x40] =	vst v2;
	v2 =	vadd.s32 v7, v1  }
0x1f7: {  	v4 =	vld.idx.msk [tilespmem:v4+s12+$0x0], $0xffff;
	v2 =	vor.u32 v49, v2;
	[tilespmem:s2+$0x50] =	vst v3  }
0x1f8: {  	v2 =	vor.u32 v15, v2;
	v3 =	vadd.s32 v9, v48;
	v0 =	vld.idx.msk [tilespmem:v0+s12+$0x0], $0xffff  }
0x1f9: {  	v3 =	vor.u32 v50, v3  }
0x1fa: {  	v3 =	vor.u32 v8, v3;
	_ =	sdelay $0x1  }
0x1fb: {  	[tilespmem:s0+$0x50] =	vst v4  }
0x1fc: {  	v2 =	vld.idx.msk [tilespmem:v2+s12+$0x0], $0xffff;
	[tilespmem:s2+$0x60] =	vst v0  }
0x1fd: {  	v63 =	vld [tilespmem:$0x1FD80]  }
0x1fe: {  	s25 =	simm.s32 $0x3;
	v3 =	vld.idx.msk [tilespmem:v3+s12+$0x0], $0xffff  }
0x1ff: {  	v21 =	vmov v5;
	v5 =	vmov s25  }
0x200: {  	v26 =	vmov v6;
	v6 =	vshrl.u32 v5, $0x3;
	v4 =	vadd.s32 v9, v1;
	v34 =	vld [tilespmem:$0x1FDD0]  }
0x201: {  	v51 =	vmul.u32 $0x1800, v6;
	v4 =	vor.u32 v49, v4  }
0x202: {  	v5 =	vshll.u32 v5, $0x7;
	v4 =	vor.u32 v8, v4;
	[tilespmem:s0+$0x60] =	vst v2  }
0x203: {  	v31 =	vmovc v8;
	v52 =	vand.u32 $0x380, v5;
	v8 =	vadd.s32 v14, v51;
	v0 =	vadd.s32 v63, v48;
	[tilespmem:s2+$0x70] =	vst v3  }
0x204: {  	v3 =	vor.u32 v52, v8;
	v0 =	vor.u32 v50, v0;
	v8 =	vld [tilespmem:$0x1FD90]  }
0x205: {  	v0 =	vor.u32 v34, v0  }
0x206: {  	s26 =	simm.s32 $0x2;
	v2 =	vadd.s32 v63, v1  }
0x207: {  	v30 =	vmov v7;
	v7 =	vmov s26;
	v4 =	vld.idx.msk [tilespmem:v4+s12+$0x0], $0xffff;
	v2 =	vor.u32 v49, v2  }
0x208: {  	v6 =	vshrl.u32 v7, $0x3;
	v2 =	vor.u32 v34, v2  }
0x209: {  	v54 =	vmul.u32 $0x1800, v6;
	v5 =	vadd.s32 v8, v48  }
0x20a: {  	v6 =	vshll.u32 v7, $0x7;
	v3 =	vor.u32 v16, v3;
	v0 =	vld.idx.msk [tilespmem:v0+s12+$0x0], $0xffff;
	v5 =	vor.u32 v50, v5  }
0x20b: {  	v53 =	vand.u32 $0x300, v6;
	v6 =	vadd.s32 v14, v54;
	v5 =	vor.u32 v24, v5  }
0x20c: {  	v6 =	vor.u32 v53, v6;
	[tilespmem:s0+$0x70] =	vst v4;
	v4 =	vadd.s32 v8, v1  }
0x20d: {  	s30 =	sadd.s32 $0x16D80, s24;
	v6 =	vor.u32 v16, v6;
	v2 =	vld.idx.msk [tilespmem:v2+s12+$0x0], $0xffff;
	v4 =	vor.u32 v49, v4  }
0x20e: {  	s31 =	simm.s32 $0x0;
	s9 =	sadd.s32 s23, s30;
	v7 =	vadd.s32 v47, v51;
	v4 =	vor.u32 v24, v4  }
0x20f: {  	s2 =	smul.u32 $0x3000, s31;
	v3 =	vld.idx.msk [tilespmem:v3+s12+$0x0], $0xffff;
	[tilespmem:s9+$0x0] =	vst v0;
	v0 =	vor.u32 v52, v7;
	v7 =	vadd.s32 v13, v48  }
0x210: {  	v5 =	vld.idx.msk [tilespmem:v5+s12+$0x0], $0xffff;
	v0 =	vor.u32 v36, v0;
	v7 =	vor.u32 v50, v7  }
0x211: {  	s29 =	sadd.s32 s22, s30;
	s0 =	simm.s32 $0x180;
	s26 =	sshra.s32 s2, $0x2;
	v8 =	vadd.s32 v47, v54;
	v7 =	vor.u32 v32, v7  }
0x212: {  	v6 =	vld.idx.msk [tilespmem:v6+s12+$0x0], $0xffff;
	v34 =	vmov v9;
	v9 =	vadd.s32 v13, v1;
	s28 =	sand.u32 $0x380, s0;
	s2 =	sadd.s32 $0x16980, s26;
	[tilespmem:s29+$0x0] =	vst v2;
	v2 =	vor.u32 v53, v8  }
0x213: {  	s3 =	sadd.s32 s28, s2;
	v8 =	vor.u32 v49, v9;
	v4 =	vld.idx.msk [tilespmem:v4+s12+$0x0], $0xffff;
	v2 =	vor.u32 v36, v2  }
0x214: {  	s7 =	simm.s32 $0x100;
	[tilespmem:s3+$0x0] =	vst v3;
	v3 =	vadd.s32 v39, v51;
	v8 =	vor.u32 v32, v8  }
0x215: {  	s25 =	sand.u32 $0x300, s7;
	v3 =	vor.u32 v52, v3;
	v0 =	vld.idx.msk [tilespmem:v0+s12+$0x0], $0xffff;
	[tilespmem:s9+$0x10] =	vst v5;
	v5 =	vadd.s32 v40, v48  }
0x216: {  	s2 =	sadd.s32 s25, s2;
	v3 =	vor.u32 v21, v3;
	v7 =	vld.idx.msk [tilespmem:v7+s12+$0x0], $0xffff;
	v5 =	vor.u32 v50, v5  }
0x217: {  	[tilespmem:s2+$0x0] =	vst v6;
	v6 =	vadd.s32 v39, v54;
	v5 =	vor.u32 v10, v5  }
0x218: {  	v9 =	vadd.s32 v40, v1;
	v2 =	vld.idx.msk [tilespmem:v2+s12+$0x0], $0xffff;
	[tilespmem:s29+$0x10] =	vst v4;
	v4 =	vor.u32 v53, v6  }
0x219: {  	v6 =	vld.idx.msk [tilespmem:v8+s12+$0x0], $0xffff;
	v8 =	vor.u32 v49, v9;
	v4 =	vor.u32 v21, v4  }
0x21a: {  	v8 =	vor.u32 v10, v8;
	[tilespmem:s3+$0x10] =	vst v0;
	v0 =	vadd.s32 v28, v51  }
0x21b: {  	v3 =	vld.idx.msk [tilespmem:v3+s12+$0x0], $0xffff;
	[tilespmem:s9+$0x20] =	vst v7;
	v0 =	vor.u32 v52, v0;
	v7 =	vadd.s32 v42, v48  }
0x21c: {  	v5 =	vld.idx.msk [tilespmem:v5+s12+$0x0], $0xffff;
	v0 =	vor.u32 v38, v0;
	v7 =	vor.u32 v50, v7  }
0x21d: {  	[tilespmem:s2+$0x10] =	vst v2;
	v2 =	vadd.s32 v28, v54;
	v7 =	vor.u32 v41, v7  }
0x21e: {  	v9 =	vadd.s32 v42, v1;
	v4 =	vld.idx.msk [tilespmem:v4+s12+$0x0], $0xffff;
	[tilespmem:s29+$0x20] =	vst v6;
	v2 =	vor.u32 v53, v2  }
0x21f: {  	v6 =	vld.idx.msk [tilespmem:v8+s12+$0x0], $0xffff;
	v8 =	vor.u32 v49, v9;
	v2 =	vor.u32 v38, v2  }
0x220: {  	v8 =	vor.u32 v41, v8;
	[tilespmem:s3+$0x20] =	vst v3;
	v3 =	vadd.s32 v26, v51  }
0x221: {  	v0 =	vld.idx.msk [tilespmem:v0+s12+$0x0], $0xffff;
	[tilespmem:s9+$0x30] =	vst v5;
	v3 =	vor.u32 v52, v3;
	v5 =	vadd.s32 v27, v48  }
0x222: {  	v7 =	vld.idx.msk [tilespmem:v7+s12+$0x0], $0xffff;
	v3 =	vor.u32 v37, v3;
	v5 =	vor.u32 v50, v5  }
0x223: {  	[tilespmem:s2+$0x20] =	vst v4;
	v4 =	vadd.s32 v26, v54;
	v5 =	vor.u32 v43, v5  }
0x224: {  	v9 =	vadd.s32 v27, v1;
	v2 =	vld.idx.msk [tilespmem:v2+s12+$0x0], $0xffff;
	[tilespmem:s29+$0x30] =	vst v6;
	v4 =	vor.u32 v53, v4  }
0x225: {  	v6 =	vld.idx.msk [tilespmem:v8+s12+$0x0], $0xffff;
	v8 =	vor.u32 v49, v9;
	v4 =	vor.u32 v37, v4  }
0x226: {  	v8 =	vor.u32 v43, v8;
	[tilespmem:s3+$0x30] =	vst v0;
	v0 =	vadd.s32 v44, v51  }
0x227: {  	v3 =	vld.idx.msk [tilespmem:v3+s12+$0x0], $0xffff;
	[tilespmem:s9+$0x40] =	vst v7;
	v0 =	vor.u32 v52, v0;
	v7 =	vadd.s32 v56, v48  }
0x228: {  	v5 =	vld.idx.msk [tilespmem:v5+s12+$0x0], $0xffff;
	v0 =	vor.u32 v35, v0;
	v7 =	vor.u32 v50, v7  }
0x229: {  	[tilespmem:s2+$0x30] =	vst v2;
	v2 =	vadd.s32 v44, v54;
	v7 =	vor.u32 v45, v7  }
0x22a: {  	v9 =	vadd.s32 v56, v1;
	v4 =	vld.idx.msk [tilespmem:v4+s12+$0x0], $0xffff;
	[tilespmem:s29+$0x40] =	vst v6;
	v2 =	vor.u32 v53, v2  }
0x22b: {  	v6 =	vld.idx.msk [tilespmem:v8+s12+$0x0], $0xffff;
	v8 =	vor.u32 v49, v9;
	v2 =	vor.u32 v35, v2  }
0x22c: {  	v8 =	vor.u32 v45, v8;
	[tilespmem:s3+$0x40] =	vst v3;
	v3 =	vadd.s32 v30, v51  }
0x22d: {  	v0 =	vld.idx.msk [tilespmem:v0+s12+$0x0], $0xffff;
	[tilespmem:s9+$0x50] =	vst v5;
	v3 =	vor.u32 v52, v3;
	v5 =	vadd.s32 v46, v48  }
0x22e: {  	v7 =	vld.idx.msk [tilespmem:v7+s12+$0x0], $0xffff;
	v3 =	vor.u32 v15, v3;
	v5 =	vor.u32 v50, v5  }
0x22f: {  	[tilespmem:s2+$0x40] =	vst v4;
	v4 =	vor.u32 v20, v5  }
0x230: {  	v2 =	vld.idx.msk [tilespmem:v2+s12+$0x0], $0xffff;
	[tilespmem:s29+$0x50] =	vst v6;
	v6 =	vadd.s32 v46, v1;
	v5 =	vadd.s32 v30, v54  }
0x231: {  	v8 =	vld.idx.msk [tilespmem:v8+s12+$0x0], $0xffff;
	v6 =	vor.u32 v49, v6;
	v5 =	vor.u32 v53, v5  }
0x232: {  	v6 =	vor.u32 v20, v6;
	v5 =	vor.u32 v15, v5;
	[tilespmem:s3+$0x50] =	vst v0;
	v0 =	vadd.s32 v34, v51  }
0x233: {  	v9 =	vld.idx.msk [tilespmem:v3+s12+$0x0], $0xffff;
	[tilespmem:s9+$0x60] =	vst v7;
	v0 =	vor.u32 v52, v0;
	v3 =	vadd.s32 v22, v48  }
0x234: {  	v58 =	vadd.s32 v11, v1;
	v11 =	vld.idx.msk [tilespmem:v4+s12+$0x0], $0xffff;
	v4 =	vor.u32 v31, v0;
	v3 =	vor.u32 v50, v3  }
0x235: {  	v32 =	vor.u32 v18, v3  }
0x236: {  	s7 =	simm.s32 $0x4;
	[tilespmem:s2+$0x50] =	vst v2  }
0x237: {  	v7 =	vmov s7;
	[tilespmem:s29+$0x60] =	vst v8;
	v3 =	vld.idx.msk [tilespmem:v5+s12+$0x0], $0xffff;
	v5 =	vadd.s32 v34, v54  }
0x238: {  	v33 =	vshll.u32 v7, $0x7;
	v6 =	vld.idx.msk [tilespmem:v6+s12+$0x0], $0xffff;
	v5 =	vor.u32 v53, v5;
	[tilespmem:s3+$0x60] =	vst v9  }
0x239: {  	v10 =	vshrl.u32 v7, $0x3;
	v8 =	vor.u32 v31, v5;
	v5 =	vadd.s32 v63, v51;
	v7 =	vld.idx.msk [tilespmem:v4+s12+$0x0], $0xffff;
	[tilespmem:s9+$0x70] =	vst v11  }
0x23a: {  	v9 =	vor.u32 v52, v5;
	v5 =	vld.idx.msk [tilespmem:v32+s12+$0x0], $0xffff  }
0x23b: {  	v55 =	vadd.s32 v23, v1;
	v59 =	vadd.s32 v19, v1;
	v19 =	vmov v36;
	v36 =	vld [tilespmem:$0x1FDA0]  }
0x23c: {  	v57 =	vadd.s32 v12, v1;
	v20 =	vmovc v47;
	v15 =	vmov v62;
	v62 =	vadd.s32 v62, v1;
	v47 =	vld [tilespmem:$0x1FD40]  }
0x23d: {  	v2 =	vadd.s32 v25, v1;
	v0 =	vadd.s32 v60, v1;
	v1 =	vadd.s32 v22, v1;
	v22 =	vmovc v39;
	v39 =	vld [tilespmem:$0x1FDB0]  }
0x23e: {  	v23 =	vmov v38;
	v43 =	vld [tilespmem:$0x1FDC0]  }
0x23f: {  	v61 =	vadd.s32 v27, v54;
	v24 =	vmovc v28;
	v28 =	vmovc v44;
	v27 =	vmov v35;
	v60 =	vadd.s32 v56, v54;
	v38 =	vld [tilespmem:$0x1FD50]  }
0x240: {  	v46 =	vmovc v56;
	v41 =	vmovc v15;
	v1 =	vor.u32 v49, v1;
	v56 =	vand.u32 $0x300, v33;
	v63 =	vadd.s32 v42, v54;
	v40 =	vld [tilespmem:$0x1FD60]  }
0x241: {  	s10 =	simm.s32 $0x5;
	v4 =	vor.u32 v18, v1;
	s9 =	simm.s32 $0x6;
	v1 =	vadd.s32 v25, v48;
	v18 =	vmovc v14;
	v25 =	vmovc v37;
	v32 =	vmov v34;
	v45 =	vld [tilespmem:$0x1FD70]  }
.LBB2_9:
0x242: {  	v42 =	vld [tilespmem:$0x1FD80]  }
0x243: {  	v44 =	vld [tilespmem:$0x1FDD0];
	_ =	sdelay $0x1  }
0x244: {  	v11 =	vmov s10  }
0x245: {  	v13 =	vor.u32 v50, v1;
	v1 =	vmov v54;
	v37 =	vld [tilespmem:$0x1FEA0];
	v14 =	vshrl.u32 v11, $0x3  }
0x246: {  	v2 =	vor.u32 v49, v2;
	v34 =	vld [tilespmem:$0x1FEE0];
	[tilespmem:s2+$0x60] =	vst v3;
	v3 =	vmul.u32 $0x1800, v14;
	v54 =	vadd.s32 v42, v1  }
0x247: {  	v8 =	vld.idx.msk [tilespmem:v8+s12+$0x0], $0xffff;
	[tilespmem:s29+$0x70] =	vst v6;
	v6 =	vshll.u32 v11, $0x7;
	v12 =	vor.u32 v44, v9;
	v11 =	vor.u32 v53, v54  }
0x248: {  	v35 =	vld [tilespmem:$0x1FE90];
	v14 =	vor.u32 v36, v2;
	v2 =	vand.u32 $0x380, v6;
	v6 =	vor.u32 v44, v11  }
0x249: {  	v44 =	vld [tilespmem:$0x1FD90]  }
0x24a: {  	v0 =	vor.u32 v49, v0;
	v13 =	vor.u32 v36, v13;
	v4 =	vld.idx.msk [tilespmem:v4+s12+$0x0], $0xffff;
	v54 =	vmul.u32 $0x1800, v10  }
0x24b: {  	s8 =	sadd.s32 $0x17180, s24;
	v33 =	vld [tilespmem:$0x1FED0];
	v0 =	vor.u32 v47, v0;
	[tilespmem:s3+$0x70] =	vst v7;
	v15 =	vadd.s32 v18, v3  }
0x24c: {  	s18 =	sadd.s32 s23, s8;
	v7 =	vor.u32 v2, v15;
	v15 =	vadd.s32 v18, v54;
	[tilespmem:s2+$0x70] =	vst v8;
	v10 =	vld.idx.msk [tilespmem:v12+s12+$0x0], $0xffff  }
0x24d: {  	v15 =	vor.u32 v56, v15;
	[tilespmem:s18+$0x0] =	vst v5;
	v5 =	vor.u32 v16, v7;
	v6 =	vld.idx.msk [tilespmem:v6+s12+$0x0], $0xffff  }
0x24e: {  	s10 =	sadd.s32 s22, s8;
	v12 =	vadd.s32 v34, v48;
	v11 =	vadd.s32 v44, v51;
	v8 =	vadd.s32 v44, v1;
	v44 =	vld [tilespmem:$0x1FE40]  }
0x24f: {  	s24 =	smov.u32 s26;
	[tilespmem:s10+$0x0] =	vst v4;
	v4 =	vor.u32 v16, v15;
	v7 =	vor.u32 v52, v11;
	v11 =	vld.idx.msk [tilespmem:v13+s12+$0x0], $0xffff  }
0x250: {  	s23 =	smov.u32 s28;
	s22 =	smov.u32 s25;
	s25 =	sadd.s32 $0x16D80, s24;
	v12 =	vor.u32 v50, v12;
	v8 =	vor.u32 v53, v8;
	v14 =	vld.idx.msk [tilespmem:v14+s12+$0x0], $0xffff;
	v7 =	vor.u32 v33, v7  }
0x251: {  	s19 =	sadd.s32 s23, s25;
	v12 =	vor.u32 v47, v12;
	v15 =	vadd.s32 v20, v3;
	v8 =	vor.u32 v33, v8;
	v33 =	vld [tilespmem:$0x1FF10]  }
0x252: {  	s26 =	sshrl.u32 s7, $0x3;
	v16 =	vadd.s32 v20, v54;
	v5 =	vld.idx.msk [tilespmem:v5+s12+$0x0], $0xffff;
	[tilespmem:s19+$0x0] =	vst v10;
	v10 =	vor.u32 v2, v15  }
0x253: {  	s29 =	sadd.s32 s22, s25;
	s2 =	smul.u32 $0x3000, s26;
	v13 =	vadd.s32 v35, v1;
	v15 =	vadd.s32 v35, v51;
	v35 =	vld [tilespmem:$0x1FE50];
	v10 =	vor.u32 v19, v10  }
0x254: {  	v4 =	vld.idx.msk [tilespmem:v4+s12+$0x0], $0xffff;
	[tilespmem:s29+$0x0] =	vst v6;
	v6 =	vor.u32 v49, v62;
	v62 =	vor.u32 v56, v16  }
0x255: {  	s0 =	sadd.s32 $0x100, s0;
	s26 =	sshra.s32 s2, $0x2;
	v62 =	vor.u32 v19, v62;
	v7 =	vld.idx.msk [tilespmem:v7+s12+$0x0], $0xffff  }
0x256: {  	s30 =	sadd.s32 $0xFFFFFF80, s0;
	s28 =	sand.u32 $0x380, s0;
	s31 =	sadd.s32 $0x16980, s26;
	v13 =	vor.u32 v53, v13;
	[tilespmem:s18+$0x10] =	vst v11;
	v11 =	vor.u32 v52, v15;
	v8 =	vld.idx.msk [tilespmem:v8+s12+$0x0], $0xffff  }
0x257: {  	s25 =	sand.u32 $0x300, s30;
	s3 =	sadd.s32 s28, s31;
	v15 =	vadd.s32 v41, v48;
	[tilespmem:s10+$0x10] =	vst v14;
	v12 =	vld.idx.msk [tilespmem:v12+s12+$0x0], $0xffff;
	v11 =	vor.u32 v44, v11  }
0x258: {  	s2 =	sadd.s32 s25, s31;
	v13 =	vor.u32 v44, v13;
	v15 =	vor.u32 v50, v15;
	[tilespmem:s3+$0x0] =	vst v5;
	v0 =	vld.idx.msk [tilespmem:v0+s12+$0x0], $0xffff  }
0x259: {  	v5 =	vor.u32 v39, v6;
	v15 =	vor.u32 v39, v15;
	v6 =	vld.idx.msk [tilespmem:v10+s12+$0x0], $0xffff;
	[tilespmem:s2+$0x0] =	vst v4  }
0x25a: {  	v9 =	vadd.s32 v37, v1;
	v14 =	vld.idx.msk [tilespmem:v62+s12+$0x0], $0xffff  }
0x25b: {  	v9 =	vor.u32 v53, v9;
	v10 =	vadd.s32 v22, v3;
	v4 =	vadd.s32 v22, v54;
	v62 =	vld [tilespmem:$0x1FE00];
	[tilespmem:s19+$0x10] =	vst v7  }
0x25c: {  	v4 =	vor.u32 v56, v4;
	v7 =	vor.u32 v2, v10;
	[tilespmem:s29+$0x10] =	vst v8;
	v10 =	vld.idx.msk [tilespmem:v11+s12+$0x0], $0xffff  }
0x25d: {  	v8 =	vor.u32 v49, v59;
	[tilespmem:s18+$0x20] =	vst v12;
	v7 =	vor.u32 v21, v7;
	v13 =	vld.idx.msk [tilespmem:v13+s12+$0x0], $0xffff  }
0x25e: {  	v11 =	vadd.s32 v37, v51;
	[tilespmem:s10+$0x20] =	vst v0;
	v0 =	vor.u32 v21, v4;
	v12 =	vld.idx.msk [tilespmem:v15+s12+$0x0], $0xffff  }
0x25f: {  	v11 =	vor.u32 v52, v11;
	v15 =	vadd.s32 v33, v48;
	v4 =	vld.idx.msk [tilespmem:v5+s12+$0x0], $0xffff;
	v5 =	vor.u32 v43, v8  }
0x260: {  	v8 =	vor.u32 v35, v9;
	v11 =	vor.u32 v35, v11;
	v15 =	vor.u32 v50, v15;
	v35 =	vld [tilespmem:$0x1FEB0]  }
0x261: {  	v59 =	vld [tilespmem:$0x1FE60];
	[tilespmem:s3+$0x10] =	vst v6;
	v15 =	vor.u32 v43, v15  }
0x262: {  	[tilespmem:s2+$0x10] =	vst v14;
	v6 =	vld.idx.msk [tilespmem:v7+s12+$0x0], $0xffff  }
0x263: {  	v44 =	vld [tilespmem:$0x1FDE0];
	v7 =	vadd.s32 v24, v3;
	[tilespmem:s19+$0x20] =	vst v10  }
0x264: {  	v37 =	vadd.s32 v62, v48;
	v0 =	vld.idx.msk [tilespmem:v0+s12+$0x0], $0xffff;
	[tilespmem:s29+$0x20] =	vst v13;
	v7 =	vor.u32 v2, v7  }
0x265: {  	v9 =	vld.idx.msk [tilespmem:v11+s12+$0x0], $0xffff;
	v10 =	vadd.s32 v35, v51;
	[tilespmem:s18+$0x30] =	vst v12;
	v7 =	vor.u32 v23, v7  }
0x266: {  	v12 =	vor.u32 v50, v37;
	v37 =	vor.u32 v49, v58;
	v10 =	vor.u32 v52, v10;
	v11 =	vld.idx.msk [tilespmem:v15+s12+$0x0], $0xffff  }
0x267: {  	v14 =	vadd.s32 v24, v54;
	v10 =	vor.u32 v59, v10;
	[tilespmem:s3+$0x20] =	vst v6;
	v6 =	vor.u32 v38, v37;
	v37 =	vld [tilespmem:$0x1FEC0]  }
0x268: {  	v14 =	vor.u32 v56, v14;
	v8 =	vld.idx.msk [tilespmem:v8+s12+$0x0], $0xffff;
	[tilespmem:s10+$0x30] =	vst v4  }
0x269: {  	v4 =	vor.u32 v23, v14;
	v5 =	vld.idx.msk [tilespmem:v5+s12+$0x0], $0xffff;
	v15 =	vor.u32 v53, v63  }
0x26a: {  	v58 =	vadd.s32 v26, v3;
	v14 =	vor.u32 v59, v15;
	v7 =	vld.idx.msk [tilespmem:v7+s12+$0x0], $0xffff  }
0x26b: {  	v12 =	vor.u32 v38, v12;
	[tilespmem:s19+$0x30] =	vst v9;
	v9 =	vor.u32 v2, v58;
	v58 =	vld [tilespmem:$0x1FE70]  }
0x26c: {  	[tilespmem:s2+$0x20] =	vst v0;
	v10 =	vld.idx.msk [tilespmem:v10+s12+$0x0], $0xffff;
	v59 =	vadd.s32 v37, v51  }
0x26d: {  	v0 =	vadd.s32 v26, v54;
	v9 =	vor.u32 v25, v9;
	[tilespmem:s18+$0x40] =	vst v11;
	v11 =	vor.u32 v52, v59;
	v59 =	vld [tilespmem:$0x1FDF0]  }
0x26e: {  	v4 =	vld.idx.msk [tilespmem:v4+s12+$0x0], $0xffff;
	[tilespmem:s29+$0x30] =	vst v8;
	v0 =	vor.u32 v56, v0  }
0x26f: {  	v0 =	vor.u32 v25, v0;
	v14 =	vld.idx.msk [tilespmem:v14+s12+$0x0], $0xffff  }
0x270: {  	[tilespmem:s10+$0x40] =	vst v5;
	v12 =	vld.idx.msk [tilespmem:v12+s12+$0x0], $0xffff;
	v11 =	vor.u32 v58, v11  }
0x271: {  	v15 =	vor.u32 v53, v61;
	v5 =	vld.idx.msk [tilespmem:v6+s12+$0x0], $0xffff;
	[tilespmem:s3+$0x30] =	vst v7  }
0x272: {  	v8 =	vor.u32 v49, v57;
	v7 =	vld.idx.msk [tilespmem:v9+s12+$0x0], $0xffff;
	v9 =	vor.u32 v58, v15;
	v63 =	vadd.s32 v59, v48  }
0x273: {  	v6 =	vor.u32 v40, v8;
	[tilespmem:s2+$0x30] =	vst v4;
	v13 =	vor.u32 v50, v63  }
0x274: {  	v8 =	vadd.s32 v28, v3;
	v0 =	vld.idx.msk [tilespmem:v0+s12+$0x0], $0xffff;
	[tilespmem:s19+$0x40] =	vst v10;
	v13 =	vor.u32 v40, v13  }
0x275: {  	v8 =	vor.u32 v2, v8;
	v10 =	vld.idx.msk [tilespmem:v11+s12+$0x0], $0xffff  }
0x276: {  	v4 =	vadd.s32 v28, v54;
	v8 =	vor.u32 v27, v8;
	[tilespmem:s29+$0x40] =	vst v14;
	v63 =	vld [tilespmem:$0x1FE80]  }
0x277: {  	v61 =	vadd.s32 v44, v48;
	v4 =	vor.u32 v56, v4;
	v48 =	vmov v51;
	v9 =	vld.idx.msk [tilespmem:v9+s12+$0x0], $0xffff;
	[tilespmem:s10+$0x50] =	vst v5  }
0x278: {  	v11 =	vadd.s32 v46, v51;
	[tilespmem:s18+$0x50] =	vst v12;
	v51 =	vmov v3;
	v3 =	vor.u32 v27, v4;
	v4 =	vld.idx.msk [tilespmem:v6+s12+$0x0], $0xffff  }
0x279: {  	v12 =	vld.idx.msk [tilespmem:v13+s12+$0x0], $0xffff  }
0x27a: {  	v11 =	vor.u32 v52, v11;
	v13 =	vor.u32 v50, v61;
	[tilespmem:s3+$0x40] =	vst v7;
	v61 =	vld [tilespmem:$0x1FE20]  }
0x27b: {  	v15 =	vor.u32 v53, v60;
	v11 =	vor.u32 v63, v11;
	v6 =	vld.idx.msk [tilespmem:v8+s12+$0x0], $0xffff  }
0x27c: {  	v58 =	vor.u32 v49, v55;
	v49 =	vmov v53;
	v8 =	vor.u32 v63, v15;
	v63 =	vld [tilespmem:$0x1FE10]  }
0x27d: {  	v55 =	vadd.s32 v44, v1;
	v53 =	vmovc v56;
	v56 =	vld [tilespmem:$0x1FF00];
	v57 =	vadd.s32 v59, v1;
	v13 =	vor.u32 v45, v13  }
0x27e: {  	v44 =	vld [tilespmem:$0x1FE30];
	v59 =	vadd.s32 v33, v1;
	v50 =	vmovc v52;
	v7 =	vadd.s32 v30, v51;
	v52 =	vmov v2  }
0x27f: {  	v33 =	vld [tilespmem:$0x1FEF0];
	v5 =	vor.u32 v45, v58;
	[tilespmem:s19+$0x50] =	vst v10;
	v2 =	vor.u32 v52, v7;
	v10 =	vadd.s32 v61, v48  }
0x280: {  	[tilespmem:s2+$0x40] =	vst v0;
	v2 =	vor.u32 v29, v2;
	v7 =	vld.idx.msk [tilespmem:v11+s12+$0x0], $0xffff;
	v10 =	vor.u32 v50, v10  }
0x281: {  	v3 =	vld.idx.msk [tilespmem:v3+s12+$0x0], $0xffff;
	[tilespmem:s18+$0x60] =	vst v12;
	v0 =	vor.u32 v63, v10  }
0x282: {  	v60 =	vadd.s32 v46, v54;
	[tilespmem:s29+$0x50] =	vst v9;
	v11 =	vld.idx.msk [tilespmem:v13+s12+$0x0], $0xffff;
	v10 =	vadd.s32 v30, v54  }
0x283: {  	v58 =	vadd.s32 v62, v1;
	v8 =	vld.idx.msk [tilespmem:v8+s12+$0x0], $0xffff;
	[tilespmem:s10+$0x60] =	vst v4;
	v9 =	vor.u32 v53, v10  }
0x284: {  	[tilespmem:s3+$0x50] =	vst v6;
	v5 =	vld.idx.msk [tilespmem:v5+s12+$0x0], $0xffff;
	v10 =	vadd.s32 v61, v1;
	v4 =	vor.u32 v29, v9  }
0x285: {  	v6 =	vor.u32 v49, v10;
	v9 =	vld.idx.msk [tilespmem:v2+s12+$0x0], $0xffff;
	v2 =	vadd.s32 v32, v51;
	[tilespmem:s19+$0x60] =	vst v7  }
0x286: {  	v6 =	vor.u32 v63, v6;
	v2 =	vor.u32 v52, v2;
	v12 =	vld.idx.msk [tilespmem:v0+s12+$0x0], $0xffff;
	v0 =	vadd.s32 v56, v48  }
0x287: {  	v62 =	vadd.s32 v41, v1;
	[tilespmem:s18+$0x70] =	vst v11;
	v11 =	vor.u32 v31, v2;
	v10 =	vor.u32 v50, v0  }
0x288: {  	p0 =	slt.u32 s9, $0x2E;
	[tilespmem:s2+$0x50] =	vst v3;
	v61 =	vadd.s32 v37, v54;
	v63 =	vadd.s32 v35, v54;
	v13 =	vor.u32 v44, v10  }
.Ltmp4:
0x289: {  	v7 =	vmov s9;
	v2 =	vadd.s32 v33, v1;
	v0 =	vadd.s32 v34, v1;
	v3 =	vld.idx.msk [tilespmem:v4+s12+$0x0], $0xffff;
	[tilespmem:s29+$0x60] =	vst v8;
	(pc) =	sbr.rel @p0 .LBB2_9-.Ltmp4, $4  }
0x28a: {  	v16 =	vmovc v17;
	v34 =	vshll.u32 v7, $0x7;
	v1 =	vadd.s32 v56, v1;
	v4 =	vadd.s32 v32, v54;
	[tilespmem:s3+$0x60] =	vst v9  }
0x28b: {  	v10 =	vshrl.u32 v7, $0x3;
	v1 =	vor.u32 v49, v1;
	v4 =	vor.u32 v53, v4;
	v6 =	vld.idx.msk [tilespmem:v6+s12+$0x0], $0xffff;
	[tilespmem:s10+$0x70] =	vst v5  }
0x28c: {  	s7 =	smov.u32 s9;
	v56 =	vand.u32 $0x300, v34;
	v5 =	vadd.s32 v42, v51;
	v8 =	vor.u32 v31, v4;
	v7 =	vld.idx.msk [tilespmem:v11+s12+$0x0], $0xffff;
	[tilespmem:s19+$0x70] =	vst v12  }
0x28d: {  	s9 =	sadd.s32 $0x2, s9;
	s10 =	sadd.s32 $0x1, s7;
	v4 =	vor.u32 v44, v1;
	v9 =	vor.u32 v52, v5;
	v1 =	vadd.s32 v33, v48;
	v5 =	vld.idx.msk [tilespmem:v13+s12+$0x0], $0xffff  }
0x28e: {  	v11 =	vmov s10  }
0x28f: {  	v14 =	vmul.u32 $0x1800, v10;
	v12 =	vshrl.u32 v11, $0x3  }
0x290: {  	v15 =	vmov v29;
	v11 =	vshll.u32 v11, $0x7;
	v29 =	vmul.u32 $0x1800, v12  }
0x291: {  	v17 =	vand.u32 $0x380, v11;
	v11 =	vadd.s32 v18, v14  }
0x292: {  	v11 =	vor.u32 v56, v11;
	v10 =	vadd.s32 v18, v29  }
0x293: {  	v11 =	vor.u32 v16, v11;
	v10 =	vor.u32 v17, v10  }
0x294: {  	v10 =	vor.u32 v16, v10;
	_ =	sdelay $0x2  }
0x295: {  	s7 =	sshrl.u32 s7, $0x3;
	v13 =	vadd.s32 v20, v14  }
0x296: {  	s7 =	smul.u32 $0x3000, s7;
	v13 =	vor.u32 v56, v13;
	v12 =	vadd.s32 v20, v29;
	v11 =	vld.idx.msk [tilespmem:v11+s12+$0x0], $0xffff  }
0x297: {  	s0 =	sadd.s32 $0x100, s0;
	v13 =	vor.u32 v19, v13;
	v12 =	vor.u32 v17, v12;
	v10 =	vld.idx.msk [tilespmem:v10+s12+$0x0], $0xffff  }
0x298: {  	s30 =	sadd.s32 $0xFFFFFF80, s0;
	s9 =	sshra.s32 s7, $0x2;
	v12 =	vor.u32 v19, v12  }
0x299: {  	s7 =	sand.u32 $0x300, s30;
	s8 =	sadd.s32 $0x16980, s9  }
0x29a: {  	s10 =	sand.u32 $0x380, s0;
	s31 =	sadd.s32 s7, s8  }
0x29b: {  	s19 =	sadd.s32 s10, s8;
	[tilespmem:s31+$0x0] =	vst v11;
	v11 =	vadd.s32 v22, v14  }
0x29c: {  	v13 =	vld.idx.msk [tilespmem:v13+s12+$0x0], $0xffff;
	v11 =	vor.u32 v56, v11;
	[tilespmem:s19+$0x0] =	vst v10;
	v10 =	vadd.s32 v22, v29  }
0x29d: {  	v11 =	vor.u32 v21, v11;
	v12 =	vld.idx.msk [tilespmem:v12+s12+$0x0], $0xffff;
	v10 =	vor.u32 v17, v10  }
0x29e: {  	v10 =	vor.u32 v21, v10;
	_ =	sdelay $0x2  }
0x29f: {  	[tilespmem:s31+$0x10] =	vst v13;
	v13 =	vadd.s32 v24, v14  }
0x2a0: {  	v11 =	vld.idx.msk [tilespmem:v11+s12+$0x0], $0xffff;
	v13 =	vor.u32 v56, v13;
	[tilespmem:s19+$0x10] =	vst v12;
	v12 =	vadd.s32 v24, v29  }
0x2a1: {  	v13 =	vor.u32 v23, v13;
	v10 =	vld.idx.msk [tilespmem:v10+s12+$0x0], $0xffff;
	v12 =	vor.u32 v17, v12  }
0x2a2: {  	v12 =	vor.u32 v23, v12;
	_ =	sdelay $0x2  }
0x2a3: {  	[tilespmem:s31+$0x20] =	vst v11;
	v11 =	vadd.s32 v26, v14  }
0x2a4: {  	v13 =	vld.idx.msk [tilespmem:v13+s12+$0x0], $0xffff;
	v11 =	vor.u32 v56, v11;
	[tilespmem:s19+$0x20] =	vst v10;
	v10 =	vadd.s32 v26, v29  }
0x2a5: {  	v11 =	vor.u32 v25, v11;
	v12 =	vld.idx.msk [tilespmem:v12+s12+$0x0], $0xffff;
	v10 =	vor.u32 v17, v10  }
0x2a6: {  	v10 =	vor.u32 v25, v10;
	_ =	sdelay $0x2  }
0x2a7: {  	[tilespmem:s31+$0x30] =	vst v13;
	v13 =	vadd.s32 v28, v14  }
0x2a8: {  	v11 =	vld.idx.msk [tilespmem:v11+s12+$0x0], $0xffff;
	v13 =	vor.u32 v56, v13;
	[tilespmem:s19+$0x30] =	vst v12;
	v12 =	vadd.s32 v28, v29  }
0x2a9: {  	v13 =	vor.u32 v27, v13;
	v10 =	vld.idx.msk [tilespmem:v10+s12+$0x0], $0xffff;
	v12 =	vor.u32 v17, v12  }
0x2aa: {  	v12 =	vor.u32 v27, v12;
	_ =	sdelay $0x2  }
0x2ab: {  	[tilespmem:s31+$0x40] =	vst v11  }
0x2ac: {  	v13 =	vld.idx.msk [tilespmem:v13+s12+$0x0], $0xffff;
	[tilespmem:s19+$0x40] =	vst v10  }
0x2ad: {  	v10 =	vadd.s32 v30, v29;
	v12 =	vld.idx.msk [tilespmem:v12+s12+$0x0], $0xffff  }
0x2ae: {  	v10 =	vor.u32 v17, v10;
	v33 =	vld [tilespmem:$0x1FDD0]  }
0x2af: {  	v11 =	vadd.s32 v30, v14;
	v10 =	vor.u32 v15, v10  }
0x2b0: {  	v11 =	vor.u32 v56, v11;
	[tilespmem:s2+$0x60] =	vst v3  }
0x2b1: {  	v11 =	vor.u32 v15, v11;
	[tilespmem:s31+$0x50] =	vst v13  }
0x2b2: {  	v8 =	vld.idx.msk [tilespmem:v8+s12+$0x0], $0xffff;
	[tilespmem:s19+$0x50] =	vst v12  }
0x2b3: {  	v9 =	vor.u32 v33, v9;
	v12 =	vadd.s32 v32, v29;
	v34 =	vld [tilespmem:$0x1FD80]  }
0x2b4: {  	v10 =	vld.idx.msk [tilespmem:v10+s12+$0x0], $0xffff;
	v12 =	vor.u32 v17, v12;
	[tilespmem:s3+$0x70] =	vst v7  }
0x2b5: {  	v12 =	vor.u32 v31, v12;
	v35 =	vld [tilespmem:$0x1FD90]  }
0x2b6: {  	v13 =	vadd.s32 v32, v14;
	v11 =	vld.idx.msk [tilespmem:v11+s12+$0x0], $0xffff  }
0x2b7: {  	v13 =	vor.u32 v56, v13;
	v37 =	vld [tilespmem:$0x1FED0]  }
0x2b8: {  	v13 =	vor.u32 v31, v13;
	v9 =	vld.idx.msk [tilespmem:v9+s12+$0x0], $0xffff;
	v42 =	vadd.s32 v34, v54  }
0x2b9: {  	[tilespmem:s19+$0x60] =	vst v10;
	v3 =	vor.u32 v53, v42  }
0x2ba: {  	v44 =	vadd.s32 v35, v51;
	v12 =	vld.idx.msk [tilespmem:v12+s12+$0x0], $0xffff;
	v3 =	vor.u32 v33, v3  }
0x2bb: {  	s8 =	sadd.s32 $0x16D80, s26;
	[tilespmem:s2+$0x70] =	vst v8;
	v7 =	vor.u32 v52, v44  }
0x2bc: {  	s18 =	sadd.s32 s28, s8;
	[tilespmem:s31+$0x60] =	vst v11;
	v10 =	vadd.s32 v34, v29;
	v11 =	vadd.s32 v34, v14;
	v7 =	vor.u32 v37, v7  }
0x2bd: {  	v13 =	vld.idx.msk [tilespmem:v13+s12+$0x0], $0xffff;
	v10 =	vor.u32 v17, v10;
	v11 =	vor.u32 v56, v11;
	[tilespmem:s18+$0x0] =	vst v9  }
0x2be: {  	v10 =	vor.u32 v33, v10;
	v11 =	vor.u32 v33, v11;
	v33 =	vld [tilespmem:$0x1FE90]  }
0x2bf: {  	[tilespmem:s19+$0x70] =	vst v12;
	v3 =	vld.idx.msk [tilespmem:v3+s12+$0x0], $0xffff  }
0x2c0: {  	v34 =	vld [tilespmem:$0x1FE40]  }
0x2c1: {  	v7 =	vld.idx.msk [tilespmem:v7+s12+$0x0], $0xffff  }
0x2c2: {  	v8 =	vadd.s32 v35, v54  }
0x2c3: {  	v8 =	vor.u32 v53, v8;
	[tilespmem:s31+$0x70] =	vst v13  }
0x2c4: {  	s3 =	sadd.s32 s25, s8;
	v8 =	vor.u32 v37, v8;
	[tilespmem:s29+$0x70] =	vst v6;
	v9 =	vadd.s32 v33, v51  }
0x2c5: {  	v12 =	vadd.s32 v35, v29;
	v10 =	vld.idx.msk [tilespmem:v10+s12+$0x0], $0xffff;
	v9 =	vor.u32 v52, v9;
	[tilespmem:s3+$0x0] =	vst v3  }
0x2c6: {  	s30 =	sadd.s32 $0x17180, s24;
	v12 =	vor.u32 v17, v12;
	v13 =	vadd.s32 v35, v14;
	v9 =	vor.u32 v34, v9;
	[tilespmem:s18+$0x10] =	vst v7  }
0x2c7: {  	s31 =	sadd.s32 s23, s30;
	v6 =	vor.u32 v37, v12;
	v12 =	vor.u32 v56, v13;
	v13 =	vld [tilespmem:$0x1FEA0]  }
0x2c8: {  	v11 =	vld.idx.msk [tilespmem:v11+s12+$0x0], $0xffff;
	v35 =	vadd.s32 v33, v54;
	[tilespmem:s31+$0x0] =	vst v5  }
0x2c9: {  	v3 =	vor.u32 v53, v35;
	v35 =	vld [tilespmem:$0x1FE50]  }
0x2ca: {  	v12 =	vor.u32 v37, v12;
	v8 =	vld.idx.msk [tilespmem:v8+s12+$0x0], $0xffff  }
0x2cb: {  	s19 =	sadd.s32 $0x16D80, s9;
	v3 =	vor.u32 v34, v3;
	v44 =	vld.idx.msk [tilespmem:v9+s12+$0x0], $0xffff  }
0x2cc: {  	s23 =	sadd.s32 s10, s19;
	v4 =	vld.idx.msk [tilespmem:v4+s12+$0x0], $0xffff;
	v42 =	vadd.s32 v13, v51  }
0x2cd: {  	s24 =	sadd.s32 s7, s19;
	[tilespmem:s23+$0x0] =	vst v10;
	v7 =	vor.u32 v52, v42  }
0x2ce: {  	[tilespmem:s24+$0x0] =	vst v11;
	v6 =	vld.idx.msk [tilespmem:v6+s12+$0x0], $0xffff;
	v7 =	vor.u32 v35, v7  }
0x2cf: {  	v12 =	vld.idx.msk [tilespmem:v12+s12+$0x0], $0xffff;
	[tilespmem:s3+$0x10] =	vst v8  }
0x2d0: {  	s2 =	sadd.s32 s22, s30;
	v3 =	vld.idx.msk [tilespmem:v3+s12+$0x0], $0xffff;
	[tilespmem:s18+$0x20] =	vst v44  }
0x2d1: {  	v10 =	vadd.s32 v33, v14;
	v9 =	vadd.s32 v33, v29;
	v33 =	vld [tilespmem:$0x1FEB0];
	[tilespmem:s2+$0x0] =	vst v4  }
0x2d2: {  	v10 =	vor.u32 v56, v10;
	v44 =	vld [tilespmem:$0x1FE60]  }
0x2d3: {  	v9 =	vor.u32 v17, v9;
	v11 =	vadd.s32 v13, v54;
	[tilespmem:s23+$0x10] =	vst v6;
	v7 =	vld.idx.msk [tilespmem:v7+s12+$0x0], $0xffff  }
0x2d4: {  	v8 =	vor.u32 v34, v10;
	v9 =	vor.u32 v34, v9;
	v10 =	vor.u32 v53, v11;
	[tilespmem:s24+$0x10] =	vst v12  }
0x2d5: {  	v42 =	vadd.s32 v13, v29;
	v37 =	vor.u32 v35, v10;
	v10 =	vadd.s32 v13, v14;
	v13 =	vld [tilespmem:$0x1FEE0];
	_ =	sdelay $0x1  }
0x2d6: {  	v1 =	vor.u32 v50, v1;
	[tilespmem:s3+$0x20] =	vst v3  }
0x2d7: {  	v1 =	vor.u32 v36, v1;
	v34 =	vadd.s32 v33, v51;
	[tilespmem:s18+$0x30] =	vst v7  }
0x2d8: {  	v5 =	vor.u32 v52, v34;
	v12 =	vld [tilespmem:$0x1FEC0]  }
0x2d9: {  	v2 =	vor.u32 v49, v2;
	v9 =	vld.idx.msk [tilespmem:v9+s12+$0x0], $0xffff;
	v5 =	vor.u32 v44, v5;
	v11 =	vadd.s32 v13, v48  }
0x2da: {  	v2 =	vor.u32 v36, v2;
	v34 =	vor.u32 v50, v11;
	v11 =	vor.u32 v53, v63;
	v63 =	vld [tilespmem:$0x1FE70]  }
0x2db: {  	v6 =	vor.u32 v17, v42;
	v8 =	vld.idx.msk [tilespmem:v8+s12+$0x0], $0xffff  }
0x2dc: {  	v1 =	vld.idx.msk [tilespmem:v1+s12+$0x0], $0xffff;
	v10 =	vor.u32 v56, v10;
	v6 =	vor.u32 v35, v6  }
0x2dd: {  	v10 =	vor.u32 v35, v10;
	v4 =	vld.idx.msk [tilespmem:v37+s12+$0x0], $0xffff;
	v35 =	vadd.s32 v12, v51  }
0x2de: {  	v11 =	vor.u32 v44, v11;
	v5 =	vld.idx.msk [tilespmem:v5+s12+$0x0], $0xffff;
	v7 =	vor.u32 v52, v35  }
0x2df: {  	v2 =	vld.idx.msk [tilespmem:v2+s12+$0x0], $0xffff;
	[tilespmem:s23+$0x20] =	vst v9;
	v7 =	vor.u32 v63, v7  }
0x2e0: {  	v3 =	vor.u32 v47, v34;
	v9 =	vadd.s32 v33, v29;
	[tilespmem:s24+$0x20] =	vst v8  }
0x2e1: {  	v8 =	vadd.s32 v33, v14;
	[tilespmem:s31+$0x10] =	vst v1;
	v6 =	vld.idx.msk [tilespmem:v6+s12+$0x0], $0xffff;
	v9 =	vor.u32 v17, v9  }
0x2e2: {  	[tilespmem:s3+$0x30] =	vst v4;
	v8 =	vor.u32 v56, v8;
	v1 =	vor.u32 v44, v9;
	v9 =	vld.idx.msk [tilespmem:v10+s12+$0x0], $0xffff  }
0x2e3: {  	v4 =	vor.u32 v44, v8;
	v8 =	vld.idx.msk [tilespmem:v11+s12+$0x0], $0xffff;
	[tilespmem:s18+$0x40] =	vst v5  }
0x2e4: {  	[tilespmem:s2+$0x10] =	vst v2;
	v7 =	vld.idx.msk [tilespmem:v7+s12+$0x0], $0xffff  }
0x2e5: {  	v35 =	vld [tilespmem:$0x1FE80]  }
0x2e6: {  	v3 =	vld.idx.msk [tilespmem:v3+s12+$0x0], $0xffff;
	[tilespmem:s23+$0x30] =	vst v6  }
0x2e7: {  	[tilespmem:s24+$0x30] =	vst v9  }
0x2e8: {  	v37 =	vadd.s32 v46, v51;
	v10 =	vor.u32 v53, v61;
	[tilespmem:s3+$0x40] =	vst v8  }
0x2e9: {  	v42 =	vor.u32 v63, v10;
	v61 =	vadd.s32 v12, v29;
	v5 =	vor.u32 v52, v37;
	[tilespmem:s18+$0x50] =	vst v7  }
0x2ea: {  	v9 =	vadd.s32 v12, v14;
	v6 =	vor.u32 v17, v61;
	v5 =	vor.u32 v35, v5;
	v61 =	vld [tilespmem:$0x1FE20]  }
0x2eb: {  	v1 =	vld.idx.msk [tilespmem:v1+s12+$0x0], $0xffff;
	v9 =	vor.u32 v56, v9;
	[tilespmem:s31+$0x20] =	vst v3  }
0x2ec: {  	v8 =	vor.u32 v63, v9;
	v9 =	vor.u32 v53, v60;
	v60 =	vld [tilespmem:$0x1FE10]  }
0x2ed: {  	v6 =	vor.u32 v63, v6;
	v4 =	vld.idx.msk [tilespmem:v4+s12+$0x0], $0xffff  }
0x2ee: {  	v2 =	vld.idx.msk [tilespmem:v42+s12+$0x0], $0xffff  }
0x2ef: {  	v34 =	vor.u32 v35, v9;
	v5 =	vld.idx.msk [tilespmem:v5+s12+$0x0], $0xffff;
	v33 =	vadd.s32 v61, v51  }
0x2f0: {  	v7 =	vor.u32 v52, v33  }
0x2f1: {  	[tilespmem:s23+$0x40] =	vst v1;
	v7 =	vor.u32 v60, v7  }
0x2f2: {  	[tilespmem:s24+$0x40] =	vst v4;
	v6 =	vld.idx.msk [tilespmem:v6+s12+$0x0], $0xffff  }
0x2f3: {  	[tilespmem:s3+$0x50] =	vst v2;
	v8 =	vld.idx.msk [tilespmem:v8+s12+$0x0], $0xffff  }
0x2f4: {  	v37 =	vadd.s32 v46, v29;
	v3 =	vld.idx.msk [tilespmem:v34+s12+$0x0], $0xffff;
	[tilespmem:s18+$0x60] =	vst v5  }
0x2f5: {  	v1 =	vor.u32 v17, v37;
	v37 =	vld [tilespmem:$0x1FF00]  }
0x2f6: {  	v0 =	vor.u32 v49, v0;
	v7 =	vld.idx.msk [tilespmem:v7+s12+$0x0], $0xffff  }
0x2f7: {  	v0 =	vor.u32 v47, v0  }
0x2f8: {  	v10 =	vor.u32 v49, v62;
	v42 =	vadd.s32 v46, v14;
	v9 =	vadd.s32 v41, v48;
	v62 =	vld [tilespmem:$0x1FE30];
	[tilespmem:s23+$0x50] =	vst v6  }
0x2f9: {  	v9 =	vor.u32 v50, v9;
	v4 =	vor.u32 v56, v42;
	v1 =	vor.u32 v35, v1;
	[tilespmem:s24+$0x50] =	vst v8  }
0x2fa: {  	v9 =	vor.u32 v39, v9;
	v4 =	vor.u32 v35, v4;
	v33 =	vadd.s32 v61, v54;
	[tilespmem:s3+$0x60] =	vst v3  }
0x2fb: {  	v2 =	vor.u32 v53, v33;
	v34 =	vadd.s32 v37, v51;
	v33 =	vadd.s32 v37, v54;
	[tilespmem:s18+$0x70] =	vst v7  }
0x2fc: {  	v2 =	vor.u32 v60, v2;
	v5 =	vor.u32 v52, v34;
	v3 =	vor.u32 v53, v33;
	v33 =	vld [tilespmem:$0x1FEF0]  }
0x2fd: {  	v0 =	vld.idx.msk [tilespmem:v0+s12+$0x0], $0xffff;
	v42 =	vadd.s32 v61, v29;
	v5 =	vor.u32 v62, v5  }
0x2fe: {  	v6 =	vor.u32 v17, v42;
	v8 =	vadd.s32 v61, v14;
	v1 =	vld.idx.msk [tilespmem:v1+s12+$0x0], $0xffff  }
0x2ff: {  	v6 =	vor.u32 v60, v6;
	v4 =	vld.idx.msk [tilespmem:v4+s12+$0x0], $0xffff;
	v8 =	vor.u32 v56, v8  }
0x300: {  	v9 =	vld.idx.msk [tilespmem:v9+s12+$0x0], $0xffff;
	v8 =	vor.u32 v60, v8  }
0x301: {  	v10 =	vor.u32 v39, v10;
	v2 =	vld.idx.msk [tilespmem:v2+s12+$0x0], $0xffff;
	v34 =	vadd.s32 v33, v51  }
0x302: {  	[tilespmem:s2+$0x20] =	vst v0;
	v0 =	vor.u32 v62, v3;
	v3 =	vld.idx.msk [tilespmem:v5+s12+$0x0], $0xffff;
	v42 =	vor.u32 v52, v34  }
0x303: {  	v34 =	vld [tilespmem:$0x1FF10];
	[tilespmem:s23+$0x60] =	vst v1;
	v5 =	vor.u32 v36, v42;
	v42 =	vadd.s32 v37, v29  }
0x304: {  	[tilespmem:s24+$0x60] =	vst v4;
	v6 =	vld.idx.msk [tilespmem:v6+s12+$0x0], $0xffff;
	v1 =	vor.u32 v17, v42;
	v42 =	vadd.s32 v37, v14  }
0x305: {  	v8 =	vld.idx.msk [tilespmem:v8+s12+$0x0], $0xffff;
	v1 =	vor.u32 v62, v1;
	v4 =	vor.u32 v56, v42  }
0x306: {  	s26 =	sadd.s32 $0x17180, s26;
	[tilespmem:s3+$0x70] =	vst v2;
	v4 =	vor.u32 v62, v4  }
0x307: {  	s28 =	sadd.s32 s28, s26;
	[tilespmem:s31+$0x30] =	vst v9;
	v9 =	vld.idx.msk [tilespmem:v10+s12+$0x0], $0xffff  }
0x308: {  	[tilespmem:s28+$0x0] =	vst v3;
	v10 =	vor.u32 v49, v59;
	v0 =	vld.idx.msk [tilespmem:v0+s12+$0x0], $0xffff  }
0x309: {  	v10 =	vor.u32 v43, v10;
	v42 =	vadd.s32 v33, v54;
	v5 =	vld.idx.msk [tilespmem:v5+s12+$0x0], $0xffff;
	[tilespmem:s23+$0x70] =	vst v6  }
0x30a: {  	v2 =	vor.u32 v53, v42;
	[tilespmem:s24+$0x70] =	vst v8;
	v1 =	vld.idx.msk [tilespmem:v1+s12+$0x0], $0xffff  }
0x30b: {  	v42 =	vadd.s32 v13, v51;
	v7 =	vadd.s32 v34, v48;
	v2 =	vor.u32 v36, v2;
	v4 =	vld.idx.msk [tilespmem:v4+s12+$0x0], $0xffff  }
0x30c: {  	s29 =	sadd.s32 s25, s26;
	v3 =	vor.u32 v52, v42;
	v42 =	vadd.s32 v33, v29;
	[tilespmem:s2+$0x30] =	vst v9;
	v7 =	vor.u32 v50, v7  }
0x30d: {  	s30 =	sadd.s32 $0x17180, s9;
	v3 =	vor.u32 v47, v3;
	v8 =	vadd.s32 v33, v14;
	v6 =	vor.u32 v17, v42;
	[tilespmem:s29+$0x0] =	vst v0  }
0x30e: {  	s9 =	sadd.s32 s10, s30;
	v10 =	vld.idx.msk [tilespmem:v10+s12+$0x0], $0xffff;
	v7 =	vor.u32 v43, v7;
	v8 =	vor.u32 v56, v8;
	[tilespmem:s28+$0x10] =	vst v5  }
0x30f: {  	s7 =	sadd.s32 s7, s30;
	v6 =	vor.u32 v36, v6;
	v0 =	vor.u32 v36, v8;
	v8 =	vadd.s32 v13, v54;
	[tilespmem:s9+$0x0] =	vst v1  }
0x310: {  	v59 =	vadd.s32 v13, v29;
	v8 =	vor.u32 v53, v8;
	v2 =	vld.idx.msk [tilespmem:v2+s12+$0x0], $0xffff;
	[tilespmem:s7+$0x0] =	vst v4  }
0x311: {  	v8 =	vor.u32 v47, v8;
	v1 =	vor.u32 v17, v59;
	v59 =	vld [tilespmem:$0x1FE00]  }
0x312: {  	v42 =	vadd.s32 v41, v51;
	v3 =	vld.idx.msk [tilespmem:v3+s12+$0x0], $0xffff  }
0x313: {  	v5 =	vor.u32 v52, v42;
	v7 =	vld.idx.msk [tilespmem:v7+s12+$0x0], $0xffff  }
0x314: {  	v9 =	vadd.s32 v13, v14;
	v5 =	vor.u32 v39, v5;
	v6 =	vld.idx.msk [tilespmem:v6+s12+$0x0], $0xffff  }
0x315: {  	v9 =	vor.u32 v56, v9;
	v1 =	vor.u32 v47, v1;
	v0 =	vld.idx.msk [tilespmem:v0+s12+$0x0], $0xffff;
	[tilespmem:s29+$0x10] =	vst v2  }
0x316: {  	v9 =	vor.u32 v47, v9;
	[tilespmem:s2+$0x40] =	vst v10;
	v8 =	vld.idx.msk [tilespmem:v8+s12+$0x0], $0xffff;
	v36 =	vadd.s32 v59, v48  }
0x317: {  	v42 =	vadd.s32 v41, v54;
	[tilespmem:s28+$0x20] =	vst v3;
	v4 =	vor.u32 v50, v36  }
0x318: {  	v2 =	vor.u32 v53, v42;
	[tilespmem:s31+$0x40] =	vst v7;
	v4 =	vor.u32 v38, v4  }
0x319: {  	v42 =	vadd.s32 v41, v29;
	v2 =	vor.u32 v39, v2;
	v5 =	vld.idx.msk [tilespmem:v5+s12+$0x0], $0xffff;
	[tilespmem:s9+$0x10] =	vst v6  }
0x31a: {  	v6 =	vor.u32 v17, v42;
	[tilespmem:s7+$0x10] =	vst v0;
	v1 =	vld.idx.msk [tilespmem:v1+s12+$0x0], $0xffff;
	v36 =	vadd.s32 v34, v51  }
0x31b: {  	v42 =	vld.idx.msk [tilespmem:v9+s12+$0x0], $0xffff;
	[tilespmem:s29+$0x20] =	vst v8;
	v3 =	vor.u32 v52, v36;
	v36 =	vadd.s32 v41, v14  }
0x31c: {  	v6 =	vor.u32 v39, v6;
	v0 =	vor.u32 v56, v36;
	v36 =	vld [tilespmem:$0x1FDF0]  }
0x31d: {  	v0 =	vor.u32 v39, v0;
	v4 =	vld.idx.msk [tilespmem:v4+s12+$0x0], $0xffff  }
0x31e: {  	v10 =	vadd.s32 v34, v54  }
0x31f: {  	v10 =	vor.u32 v53, v10;
	v9 =	vor.u32 v49, v58;
	v58 =	vadd.s32 v34, v29;
	[tilespmem:s28+$0x30] =	vst v5  }
0x320: {  	v2 =	vld.idx.msk [tilespmem:v2+s12+$0x0], $0xffff;
	v3 =	vor.u32 v43, v3;
	v5 =	vor.u32 v43, v10;
	[tilespmem:s9+$0x20] =	vst v1  }
0x321: {  	v10 =	vadd.s32 v34, v14;
	v39 =	vadd.s32 v59, v51;
	v6 =	vld.idx.msk [tilespmem:v6+s12+$0x0], $0xffff;
	[tilespmem:s7+$0x20] =	vst v42  }
0x322: {  	v10 =	vor.u32 v56, v10;
	v8 =	vadd.s32 v36, v48;
	v0 =	vld.idx.msk [tilespmem:v0+s12+$0x0], $0xffff;
	[tilespmem:s31+$0x50] =	vst v4  }
0x323: {  	v1 =	vor.u32 v17, v58;
	v4 =	vor.u32 v50, v8;
	v8 =	vor.u32 v43, v10;
	v58 =	vld [tilespmem:$0x1FDE0]  }
0x324: {  	v9 =	vor.u32 v38, v9;
	v7 =	vor.u32 v52, v39  }
0x325: {  	v1 =	vor.u32 v43, v1;
	v42 =	vadd.s32 v59, v54;
	v3 =	vld.idx.msk [tilespmem:v3+s12+$0x0], $0xffff;
	[tilespmem:s29+$0x30] =	vst v2  }
0x326: {  	v7 =	vor.u32 v38, v7;
	v2 =	vor.u32 v53, v42;
	v5 =	vld.idx.msk [tilespmem:v5+s12+$0x0], $0xffff  }
0x327: {  	v39 =	vadd.s32 v59, v14;
	v12 =	vadd.s32 v36, v51;
	v2 =	vor.u32 v38, v2;
	[tilespmem:s7+$0x30] =	vst v0  }
0x328: {  	[tilespmem:s9+$0x30] =	vst v6;
	v4 =	vor.u32 v40, v4;
	v8 =	vld.idx.msk [tilespmem:v8+s12+$0x0], $0xffff;
	v10 =	vadd.s32 v58, v48  }
0x329: {  	v0 =	vor.u32 v56, v39;
	v48 =	vld.idx.msk [tilespmem:v9+s12+$0x0], $0xffff;
	v10 =	vor.u32 v50, v10;
	v50 =	vadd.s32 v59, v29  }
0x32a: {  	[tilespmem:s28+$0x40] =	vst v3;
	v1 =	vld.idx.msk [tilespmem:v1+s12+$0x0], $0xffff;
	v0 =	vor.u32 v38, v0;
	v6 =	vor.u32 v17, v50  }
0x32b: {  	v42 =	vadd.s32 v36, v54;
	v7 =	vld.idx.msk [tilespmem:v7+s12+$0x0], $0xffff;
	[tilespmem:s29+$0x40] =	vst v5;
	v6 =	vor.u32 v38, v6  }
0x32c: {  	v11 =	vor.u32 v49, v55;
	v12 =	vor.u32 v52, v12;
	v3 =	vor.u32 v53, v42;
	v2 =	vld.idx.msk [tilespmem:v2+s12+$0x0], $0xffff  }
0x32d: {  	v3 =	vor.u32 v40, v3;
	v9 =	vor.u32 v49, v57;
	v49 =	vadd.s32 v36, v29;
	[tilespmem:s7+$0x40] =	vst v8  }
0x32e: {  	v4 =	vld.idx.msk [tilespmem:v4+s12+$0x0], $0xffff;
	v8 =	vadd.s32 v36, v14;
	[tilespmem:s2+$0x50] =	vst v48;
	v48 =	vor.u32 v40, v9  }
0x32f: {  	[tilespmem:s9+$0x40] =	vst v1;
	v9 =	vor.u32 v40, v12;
	v50 =	vor.u32 v56, v8;
	v0 =	vld.idx.msk [tilespmem:v0+s12+$0x0], $0xffff  }
0x330: {  	v1 =	vor.u32 v17, v49;
	[tilespmem:s28+$0x50] =	vst v7;
	v7 =	vor.u32 v40, v50;
	v6 =	vld.idx.msk [tilespmem:v6+s12+$0x0], $0xffff  }
0x331: {  	v1 =	vor.u32 v40, v1;
	v8 =	vadd.s32 v58, v54;
	v12 =	vadd.s32 v58, v51;
	[tilespmem:s29+$0x50] =	vst v2  }
0x332: {  	v10 =	vor.u32 v45, v10;
	v12 =	vor.u32 v52, v12;
	v8 =	vor.u32 v53, v8;
	v3 =	vld.idx.msk [tilespmem:v3+s12+$0x0], $0xffff  }
0x333: {  	v52 =	vor.u32 v45, v11;
	v11 =	vadd.s32 v58, v29;
	v54 =	vor.u32 v45, v8;
	v5 =	vld.idx.msk [tilespmem:v48+s12+$0x0], $0xffff  }
0x334: {  	v53 =	vor.u32 v17, v11;
	v8 =	vadd.s32 v58, v14;
	v9 =	vld.idx.msk [tilespmem:v9+s12+$0x0], $0xffff;
	[tilespmem:s7+$0x50] =	vst v0  }
0x335: {  	v11 =	vor.u32 v45, v12;
	v55 =	vor.u32 v56, v8;
	v7 =	vld.idx.msk [tilespmem:v7+s12+$0x0], $0xffff;
	[tilespmem:s9+$0x50] =	vst v6  }
0x336: {  	[tilespmem:s31+$0x60] =	vst v4;
	v4 =	vor.u32 v45, v55;
	v1 =	vld.idx.msk [tilespmem:v1+s12+$0x0], $0xffff  }
0x337: {  	v56 =	vld.idx.msk [tilespmem:v10+s12+$0x0], $0xffff;
	v6 =	vor.u32 v45, v53;
	[tilespmem:s29+$0x60] =	vst v3  }
0x338: {  	v0 =	vld.idx.msk [tilespmem:v54+s12+$0x0], $0xffff;
	[tilespmem:s2+$0x60] =	vst v5  }
0x339: {  	[tilespmem:s28+$0x60] =	vst v9;
	v2 =	vld.idx.msk [tilespmem:v52+s12+$0x0], $0xffff  }
0x33a: {  	v57 =	vld.idx.msk [tilespmem:v11+s12+$0x0], $0xffff;
	[tilespmem:s7+$0x60] =	vst v7  }
0x33b: {  	v4 =	vld.idx.msk [tilespmem:v4+s12+$0x0], $0xffff;
	[tilespmem:s9+$0x60] =	vst v1  }
0x33c: {  	[tilespmem:s31+$0x70] =	vst v56;
	v1 =	vld.idx.msk [tilespmem:v6+s12+$0x0], $0xffff  }
0x33d: {  	[tilespmem:s29+$0x70] =	vst v0  }
0x33e: {  	[tilespmem:s2+$0x70] =	vst v2  }
0x33f: {  	[tilespmem:s28+$0x70] =	vst v57  }
0x340: {  	[tilespmem:s7+$0x70] =	vst v4  }
0x341: {  	[tilespmem:s9+$0x70] =	vst v1  }
0x342: {  	v29 =	vld [tilespmem:$0x1FDD0]  }
0x343: {  	v11 =	vld [tilespmem:$0x1FD80]  }
0x344: {  	v9 =	vld [tilespmem:$0x1FED0]  }
0x345: {  	s20 =	sadd.s32 $0x1, s20;
	v53 =	vld [tilespmem:$0x1FD90]  }
0x346: {  	p0 =	sne.s32 s20, $0xC;
	v55 =	vld [tilespmem:$0x1FE40]  }
.Ltmp5:
0x347: {  	v56 =	vld [tilespmem:$0x1FE90];
	(pc) =	sbr.rel @p0 .LBB2_2-.Ltmp5, $4  }
0x348: {  	s31 =	smul.u32 $0x900, s21;
	v48 =	vld [tilespmem:$0x1FE50]  }
0x349: {  	v57 =	vld [tilespmem:$0x1FEA0]  }
0x34a: {  	v39 =	vmovc v43;
	v49 =	vmovc v44;
	v51 =	vmov v60;
	v60 =	vmov v13;
	v14 =	vmov v62;
	s0 =	sadd.s32 s4, s31;
	v44 =	vld [tilespmem:$0x1FEB0]  }
0x34b: {  	v50 =	vmovc v35;
	v10 =	vmovc v59;
	v35 =	vmov v58;
	v12 =	vmov v61;
	v61 =	vmov v41;
	[hbm4b:s0+s5] =	stream.linear.scatter [tilespmem:s17], [sflag:$0x4], $0x4800, $0x38;
	v17 =	vld [tilespmem:$0x1FEC0]  }
0x34c: {  	s0 =	simm.s32 $0x3  }
0x34d: {  	_ =	swait.ge [sflag:s0], $0x4800  }
0x34e: {  	[sflag:s0] =	ssyncset.done $0x0  }
0x34f: {  	[sflag:s0] =	ssyncadd.s32 $0xFFFFB800  }
0x350: {  	_ =	swait.ge [sflag:s16], $0x4800  }
0x351: {  	s2 =	rddreg [dreg:$0x7]  }
0x352: {  	s31 =	rddreg [dreg:$0x6];
	s2 =	sadd.s32 $0x1, s2  }
0x353: {  	p0 =	sne.s32 s2, s31  }
.Ltmp6:
0x354: {  	_ = 	snop;
	(pc) =	sbr.rel @p0 .LBB2_1-.Ltmp6, $3  }
0x355: {  	_ =	sdelay $0x1  }
0x356: {  	[sflag:s16] =	ssyncset.done $0x0  }
0x357: {  	[sflag:s16] =	ssyncadd.s32 $0xFFFFB800  }
0x358: {  	_ =	sfence.sel $0x180000  }
0x359: {  	[bflag:$0x0] =	sbarrier.arrive $0xFFFF  }
0x35a: {  	_ =	strace $0x90000047  }
0x35b: {  	s0 =	stileid.u32;
	[bflag:$0x2] =	sbarrier.arrive $0xFFFF  }
0x35c: {  	p0 =	sne.s32 s0, $0x0;
	s0 =	rddreg [dreg:$0x3]  }
0x35d: {  	s0 =	sadd.s32 @!p0 $0x100000, s0  }
0x35e: {  	[sflag:s0] =	ssyncadd.tile.s32 @!p0 $0x1;
	_ =	shalt  }
.Lfunc_end2:
_tile_overlayer_lowered:
.L_overlay_start_2:
0x35f: {  	(tag) =	ssettag $0x2  }
0x360: {  	s0 =	rddreg [dreg:$0x0];
	s2 =	stileid.u32  }
0x361: {  	s1 =	rddreg [dreg:$0x1];
	p0 =	sne.s32 s2, $0x0  }
0x362: {  	s3 =	rddreg [dreg:$0x2];
	[bflag:$0x3] =	sbarrier.arrive $0xFFFF;
	s2 =	simm.s32 @!p0 $0x1C05  }
0x363: {  	[timem:s3], [sflag:s2] =	dma.local @!p0 [hbm:s0], s1  }
0x364: {  	s0 =	simm.s32 @!p0 $0x5  }
0x365: {  	_ =	swait.ge @!p0 [sflag:s0], s1  }
0x366: {  	s1 =	ssub.s32 @!p0 $0x0, s1;
	[sflag:s0] =	ssyncset.done @!p0 $0x0  }
0x367: {  	[sflag:s0] =	ssyncadd.s32 @!p0 s1  }
0x368: {  	[bflag:$0x3] =	sbarrier.arrive $0xFFFF  }
0x369: {  	_ =	shalt  }

</sc_bundles>
